<compile_context>
chip_gen: v7x
topology: tpu7x:2x2x1
jax: 0.10.2.dev20260603
libtpu: 0.0.44.dev20260713+nightly
codegen_flags: <defaults>
</compile_context>

<pallas_src>
import jax
import jax.numpy as jnp
from jax import lax
from jax.experimental import pallas as pl
from jax.experimental.pallas import tpu as pltpu
from jax.experimental.pallas import tpu_sc as plsc

N = 10000
E = 160000
G = 64
DI = 128
DX = 144
DH = 256

NW = 32
EPT = 5000
K = 125
NCH = EPT // K
NPAD = 10240
CRAWN = G * NPAD
NBLK = 10
BR = NPAD // NBLK


def _sc_a_body(xext, srcl, dstl, acc_out, deg_out,
               src_v, dst_v, rows_v, acc_sh, gsem):
    c = lax.axis_index("c")
    s = lax.axis_index("s")
    w = c * 16 + s
    zeros16 = jnp.zeros((16,), jnp.float32)

    pltpu.sync_copy(srcl.at[w], src_v)
    pltpu.sync_copy(dstl.at[w], dst_v)

    def _zrows(t, _):
        rows_v[t // 9, pl.ds((t % 9) * 16, 16)] = zeros16
        return 0
    lax.fori_loop(0, K * 9, _zrows, 0)

    def _zacc(i, _):
        pltpu.sync_copy(rows_v, acc_sh.at[pl.ds(s * 640 + i * K, K)])
        return 0
    lax.fori_loop(0, 5, _zacc, 0)
    pltpu.sync_copy(rows_v.at[pl.ds(0, 15)],
                    acc_sh.at[pl.ds(s * 640 + 625, 15)])
    plsc.subcore_barrier()

    @pl.loop(0, NCH)
    def _chunk(ci):
        pltpu.async_copy(xext.at[src_v.at[ci]], rows_v, gsem).wait()
        pltpu.sync_copy(rows_v, acc_sh.at[dst_v.at[ci]], add=True)

    plsc.subcore_barrier()

    pltpu.sync_copy(acc_sh.at[pl.ds(s * 640, 640), pl.ds(0, DI)],
                    acc_out.at[c, pl.ds(s * 640, 640)])
    pltpu.sync_copy(acc_sh.at[pl.ds(s * 640, 640), pl.ds(DI, 16)],
                    deg_out.at[c, pl.ds(s * 640, 640)])


def _tc1_body(acc_ref, deg_ref, x_ref, w1l_ref, w1r_ref, b1_ref,
              h1_ref, invd_ref):
    i = pl.program_id(0)
    agg = acc_ref[0] + acc_ref[1]
    deg = deg_ref[0][:, 0:1] + deg_ref[1][:, 0:1]
    rows = i * BR + lax.broadcasted_iota(jnp.int32, (BR, 1), 0)
    invd = jnp.where(rows < N, 1.0 / jnp.maximum(deg, 1.0), 0.0)
    mean = agg * invd
    h1_ref[...] = jnp.maximum(
        jnp.dot(mean, w1l_ref[...], preferred_element_type=jnp.float32)
        + jnp.dot(x_ref[...][:, :DI], w1r_ref[...],
                  preferred_element_type=jnp.float32)
        + b1_ref[...], 0.0)
    invd_ref[...] = invd


def _sc_c_body(srcf, dstf, batchp, invdeg, craw_out,
               src_v, dst_v, rowidx_v, w_v, zed_v, batch_v, invd_v, craw_sh):
    c = lax.axis_index("c")
    s = lax.axis_index("s")
    w = c * 16 + s
    zeros16 = jnp.zeros((16,), jnp.float32)

    pltpu.sync_copy(srcf.at[pl.ds(w * EPT, EPT)], src_v.at[pl.ds(0, EPT)])
    pltpu.sync_copy(dstf.at[pl.ds(w * EPT, EPT)], dst_v.at[pl.ds(0, EPT)])
    pltpu.sync_copy(batchp, batch_v)
    pltpu.sync_copy(invdeg, invd_v)

    def _zed(i, _):
        zed_v[pl.ds(i * 16, 16)] = zeros16
        return 0
    lax.fori_loop(0, 1024 // 16, _zed, 0)

    def _zcraw(i, _):
        pltpu.sync_copy(zed_v, craw_sh.at[pl.ds(s * 40960 + i * 1024, 1024)])
        return 0
    lax.fori_loop(0, 40, _zcraw, 0)
    plsc.subcore_barrier()

    lane16 = lax.iota(jnp.int32, 16)
    zeros16f = jnp.zeros((16,), jnp.float32)
    zeros16i = jnp.zeros((16,), jnp.int32)

    @pl.loop(0, NCH)
    def _chunk(cc):
        for j in range(8):
            d16 = dst_v[pl.ds(cc * K + j * 16, 16)]
            s16 = src_v[pl.ds(cc * K + j * 16, 16)]
            if j == 7:
                tm = lane16 < (K - 112)
                d16 = jnp.where(tm, d16, zeros16i)
                s16 = jnp.where(tm, s16, zeros16i)
            g16 = plsc.load_gather(batch_v, [d16])
            w16 = plsc.load_gather(invd_v, [d16])
            if j == 7:
                w16 = jnp.where(lane16 < (K - 112), w16, zeros16f)
            rowidx_v[pl.ds(j * 16, 16)] = jnp.maximum(g16, 0) * NPAD + s16
            w_v[pl.ds(j * 16, 16)] = w16
        pltpu.sync_copy(w_v, craw_sh.at[rowidx_v], add=True)

    plsc.subcore_barrier()

    for k in range(4):
        pltpu.sync_copy(craw_sh.at[pl.ds((s * 4 + k) * NPAD, NPAD)],
                        craw_out.at[c, s * 4 + k])


def _tc2_body(h1_ref, batch_ref, craw_ref, w2l_ref, w2r_ref, b2_ref,
              out_ref, m1_ref, m2_ref, cnt_ref):
    i = pl.program_id(0)

    @pl.when(i == 0)
    def _():
        m1_ref[...] = jnp.zeros_like(m1_ref)
        m2_ref[...] = jnp.zeros_like(m2_ref)
        cnt_ref[...] = jnp.zeros_like(cnt_ref)

    h1 = h1_ref[...]
    craw = craw_ref[0] + craw_ref[1]
    m1_ref[...] += jnp.dot(craw, h1, preferred_element_type=jnp.float32)

    gids = lax.broadcasted_iota(jnp.int32, (G, BR), 0)
    ind = (gids == batch_ref[0]).astype(jnp.float32)
    m2_ref[...] += jnp.dot(ind, h1, preferred_element_type=jnp.float32)
    cnt_ref[:, 0:1] += jnp.sum(ind, axis=1, keepdims=True)

    @pl.when(i == NBLK - 1)
    def _():
        pooled = (jnp.dot(m1_ref[...], w2l_ref[...],
                          preferred_element_type=jnp.float32)
                  + jnp.dot(m2_ref[...], w2r_ref[...],
                            preferred_element_type=jnp.float32))
        out_ref[...] = pooled / jnp.maximum(cnt_ref[:, 0:1], 1.0) + b2_ref[...]


def kernel(x, edge_index, batch, W1_l, W1_r, b1, W2_l, W2_r, b2):
    src = edge_index[0].astype(jnp.int32)
    dst = edge_index[1].astype(jnp.int32)
    srcl = src.reshape(NW, NCH, K)
    dstl = dst.reshape(NW, NCH, K)
    xext = jnp.pad(jnp.concatenate(
        [x, jnp.ones((N, 1), jnp.float32)], axis=1),
        ((0, NPAD - N), (0, DX - DI - 1)))
    batchp = jnp.pad(batch.astype(jnp.int32), (0, NPAD - N),
                     constant_values=-1)

    mesh = plsc.VectorSubcoreMesh(core_axis_name="c", subcore_axis_name="s")
    sc_a_params = pltpu.CompilerParams(needs_layout_passes=False,
                                       use_tc_tiling_on_sc=False)
    sc_c_params = pltpu.CompilerParams(needs_layout_passes=False)

    acc, accdeg = pl.kernel(
        _sc_a_body,
        compiler_params=sc_a_params,
        out_type=(jax.ShapeDtypeStruct((2, NPAD, DI), jnp.float32),
                  jax.ShapeDtypeStruct((2, NPAD, 16), jnp.float32)),
        mesh=mesh,
        scratch_types=[
            pltpu.VMEM((NCH, K), jnp.int32),
            pltpu.VMEM((NCH, K), jnp.int32),
            pltpu.VMEM((K, DX), jnp.float32),
            pltpu.VMEM_SHARED((NPAD, DX), jnp.float32),
            pltpu.SemaphoreType.DMA,
        ],
    )(xext, srcl, dstl)

    h1, invdeg = pl.pallas_call(
        _tc1_body,
        grid=(NBLK,),
        in_specs=[
            pl.BlockSpec((2, BR, DI), lambda i: (0, i, 0)),
            pl.BlockSpec((2, BR, 16), lambda i: (0, i, 0)),
            pl.BlockSpec((BR, DX), lambda i: (i, 0)),
            pl.BlockSpec((DI, DH), lambda i: (0, 0)),
            pl.BlockSpec((DI, DH), lambda i: (0, 0)),
            pl.BlockSpec((1, DH), lambda i: (0, 0)),
        ],
        out_specs=[pl.BlockSpec((BR, DH), lambda i: (i, 0)),
                   pl.BlockSpec((BR, 1), lambda i: (i, 0))],
        out_shape=[jax.ShapeDtypeStruct((NPAD, DH), jnp.float32),
                   jax.ShapeDtypeStruct((NPAD, 1), jnp.float32)],
    )(acc, accdeg, xext, W1_l, W1_r, b1.reshape(1, DH))

    craw = pl.kernel(
        _sc_c_body,
        compiler_params=sc_c_params,
        out_type=jax.ShapeDtypeStruct((2, G, NPAD), jnp.float32),
        mesh=mesh,
        scratch_types=[
            pltpu.VMEM((EPT + 8,), jnp.int32),
            pltpu.VMEM((EPT + 8,), jnp.int32),
            pltpu.VMEM((128,), jnp.int32),
            pltpu.VMEM((128,), jnp.float32),
            pltpu.VMEM((1024,), jnp.float32),
            pltpu.VMEM((NPAD,), jnp.int32),
            pltpu.VMEM((NPAD,), jnp.float32),
            pltpu.VMEM_SHARED((CRAWN,), jnp.float32),
        ],
    )(src, dst, batchp, invdeg.reshape(NPAD))

    out = pl.pallas_call(
        _tc2_body,
        grid=(NBLK,),
        in_specs=[
            pl.BlockSpec((BR, DH), lambda i: (i, 0)),
            pl.BlockSpec((1, 1, BR), lambda i: (i, 0, 0)),
            pl.BlockSpec((2, G, BR), lambda i: (0, 0, i)),
            pl.BlockSpec((DH, DH), lambda i: (0, 0)),
            pl.BlockSpec((DH, DH), lambda i: (0, 0)),
            pl.BlockSpec((1, DH), lambda i: (0, 0)),
        ],
        out_specs=pl.BlockSpec((G, DH), lambda i: (0, 0)),
        out_shape=jax.ShapeDtypeStruct((G, DH), jnp.float32),
        scratch_shapes=[
            pltpu.VMEM((G, DH), jnp.float32),
            pltpu.VMEM((G, DH), jnp.float32),
            pltpu.VMEM((G, 128), jnp.float32),
        ],
    )(h1, batchp.reshape(NBLK, 1, BR), craw,
      W2_l, W2_r, b2.reshape(1, DH))
    return out

# --- scband reference (transcript-rebuilt; emitter-appended) ---
"""Pipeline reference for scband-graph-sage-40080634807126 (READ-ONLY COPY).

The authoritative reference and input builder live on the scoring server;
editing this copy changes nothing except your own understanding.
"""

import jax, jax.numpy as jnp
import numpy as np

N = 10000
E = 160000
D_IN = 128
D_H = 256
D_OUT = 256
G = 64

def _sage_conv(x, edge_index, W_l, W_r, b):
    # PyG SAGEConv (mean aggregator): out = lin_l(mean_{j in N(i)} x_j) + lin_r(x_i)
    src = edge_index[0]
    dst = edge_index[1]
    msgs = jnp.take(x, src, axis=0)                      # gather [E, d]
    agg = jax.ops.segment_sum(msgs, dst, num_segments=x.shape[0])
    deg = jax.ops.segment_sum(jnp.ones((msgs.shape[0],), dtype=x.dtype), dst, num_segments=x.shape[0])
    mean = agg / jnp.clip(deg, 1.0, None)[:, None]
    return mean @ W_l + x @ W_r + b

def _global_mean_pool(x, batch, num_graphs):
    s = jax.ops.segment_sum(x, batch, num_segments=num_graphs)
    cnt = jax.ops.segment_sum(jnp.ones((x.shape[0],), dtype=x.dtype), batch, num_segments=num_graphs)
    return s / jnp.clip(cnt, 1.0, None)[:, None]

def setup_inputs(seed: int = 0) -> dict:
    key = jax.random.key(seed)
    ks = [jax.random.fold_in(key, i) for i in range(10)]
    x = jax.random.normal(ks[0], (N, D_IN), dtype=jnp.float32)
    edge_index = jax.random.randint(ks[1], (2, E), 0, N, dtype=jnp.int64)
    batch = jnp.sort(jax.random.randint(ks[2], (N,), 0, G, dtype=jnp.int64))
    s1 = 1.0 / np.sqrt(D_IN)
    s2 = 1.0 / np.sqrt(D_H)
    W1_l = jax.random.uniform(ks[3], (D_IN, D_H), jnp.float32, -s1, s1)
    W1_r = jax.random.uniform(ks[4], (D_IN, D_H), jnp.float32, -s1, s1)
    b1 = jnp.zeros((D_H,), dtype=jnp.float32)
    W2_l = jax.random.uniform(ks[5], (D_H, D_OUT), jnp.float32, -s2, s2)
    W2_r = jax.random.uniform(ks[6], (D_H, D_OUT), jnp.float32, -s2, s2)
    b2 = jnp.zeros((D_OUT,), dtype=jnp.float32)
    return {"x": x, "edge_index": edge_index, "batch": batch,
            "W1_l": W1_l, "W1_r": W1_r, "b1": b1,
            "W2_l": W2_l, "W2_r": W2_r, "b2": b2}

def reference(x, edge_index, batch, W1_l, W1_r, b1, W2_l, W2_r, b2):
    h = jax.nn.relu(_sage_conv(x, edge_index, W1_l, W1_r, b1))
    h = _sage_conv(h, edge_index, W2_l, W2_r, b2)
    return _global_mean_pool(h, batch, G)

if __name__ == "__main__":
    import jax
    _d = setup_inputs()
    print(jax.jit(kernel)(*tuple(_d.values())))

</pallas_src>

<mosaic_0001>
#map = affine_map<(d0, d1) -> (0)>
#map1 = affine_map<(d0, d1) -> (0, 0, 0)>
module attributes {stable_mosaic.version = 14 : i64} {
  func.func @_sc_c_body(%arg0: i32, %arg1: i32, %arg2: memref<160000xi32, #tpu.memory_space<hbm>>, %arg3: memref<160000xi32, #tpu.memory_space<hbm>>, %arg4: memref<10240xi32, #tpu.memory_space<hbm>>, %arg5: memref<10240xf32, #tpu.memory_space<hbm>>, %arg6: memref<2x64x10240xf32, #tpu.memory_space<hbm>>, %arg7: memref<5008xi32, #tpu.memory_space<vmem>>, %arg8: memref<5008xi32, #tpu.memory_space<vmem>>, %arg9: memref<128xi32, #tpu.memory_space<vmem>>, %arg10: memref<128xf32, #tpu.memory_space<vmem>>, %arg11: memref<1024xf32, #tpu.memory_space<vmem>>, %arg12: memref<10240xi32, #tpu.memory_space<vmem>>, %arg13: memref<10240xf32, #tpu.memory_space<vmem>>, %arg14: memref<655360xf32, #tpu.memory_space<vmem_shared>>) attributes {dimension_semantics = [#tpu.dimension_semantics<core_parallel>, #tpu.dimension_semantics<subcore_parallel>], iteration_bounds = array<i64: 2, 16>, scalar_prefetch = 0 : i64, scratch_operands = 8 : i64, tpu.core_type = #tpu.core_type<sc_vector_subcore>, window_params = [{transform_indices = #map}, {transform_indices = #map}, {transform_indices = #map}, {transform_indices = #map}, {transform_indices = #map1}]} {
    %mul3A = arith.constant 16 : i32
    %mul3A_0 = arith.muli %arg0, %mul3A : i32
    %add3A = arith.addi %mul3A_0, %arg1 : i32
    %broadcast_in_dim3A = arith.constant 0.000000e+00 : f32
    %broadcast_in_dim3A_1 = vector.broadcast %broadcast_in_dim3A : f32 to vector<16xf32>
    %mul3A_2 = arith.constant 5000 : i32
    %mul3A_3 = arith.muli %add3A, %mul3A_2 : i32
    "tpu.region"() ({
      %run_scoped3A = tpu.sem_alloc : memref<!tpu.dma_semaphore, #tpu.memory_space<semaphore_mem>>
      %dma_start3A = arith.constant 0 : i32
      %dma_start3A_69 = tpu.memref_slice %arg7[%dma_start3A] : memref<5008xi32, #tpu.memory_space<vmem>> -> memref<5000xi32, #tpu.memory_space<vmem>>
      %dma_start3A_70 = tpu.memref_slice %arg2[%mul3A_3] : memref<160000xi32, #tpu.memory_space<hbm>> -> memref<5000xi32, #tpu.memory_space<hbm>>
      %dma_start3A_71 = arith.constant 0 : i32
      %dma_start3A_72 = tpu.memref_slice %arg7[%dma_start3A_71] : memref<5008xi32, #tpu.memory_space<vmem>> -> memref<5000xi32, #tpu.memory_space<vmem>>
      %dma_start3A_73 = tpu.memref_slice %arg2[%mul3A_3] : memref<160000xi32, #tpu.memory_space<hbm>> -> memref<5000xi32, #tpu.memory_space<hbm>>
      tpu.enqueue_dma source(%dma_start3A_73 : memref<5000xi32, #tpu.memory_space<hbm>>) target(%dma_start3A_72 : memref<5000xi32, #tpu.memory_space<vmem>>) target_semaphore(%run_scoped3A : memref<!tpu.dma_semaphore, #tpu.memory_space<semaphore_mem>>)
      %dma_wait3A = arith.constant 0 : i32
      %dma_wait3A_74 = tpu.memref_slice %arg7[%dma_wait3A] : memref<5008xi32, #tpu.memory_space<vmem>> -> memref<5000xi32, #tpu.memory_space<vmem>>
      %dma_wait3A_75 = tpu.memref_slice %arg2[%mul3A_3] : memref<160000xi32, #tpu.memory_space<hbm>> -> memref<5000xi32, #tpu.memory_space<hbm>>
      %dma_wait3A_76 = arith.constant 0 : i32
      %dma_wait3A_77 = tpu.memref_slice %arg7[%dma_wait3A_76] : memref<5008xi32, #tpu.memory_space<vmem>> -> memref<5000xi32, #tpu.memory_space<vmem>>
      %dma_wait3A_78 = tpu.memref_slice %arg2[%mul3A_3] : memref<160000xi32, #tpu.memory_space<hbm>> -> memref<5000xi32, #tpu.memory_space<hbm>>
      tpu.wait_dma2 semaphore(%run_scoped3A : memref<!tpu.dma_semaphore, #tpu.memory_space<semaphore_mem>>) src(%dma_wait3A_78 : memref<5000xi32, #tpu.memory_space<hbm>>) dst(%dma_wait3A_77 : memref<5000xi32, #tpu.memory_space<vmem>>)
      tpu.yield
    }) : () -> ()
    %mul3A_4 = arith.constant 5000 : i32
    %mul3A_5 = arith.muli %add3A, %mul3A_4 : i32
    "tpu.region"() ({
      %run_scoped3A = tpu.sem_alloc : memref<!tpu.dma_semaphore, #tpu.memory_space<semaphore_mem>>
      %dma_start3A = arith.constant 0 : i32
      %dma_start3A_69 = tpu.memref_slice %arg8[%dma_start3A] : memref<5008xi32, #tpu.memory_space<vmem>> -> memref<5000xi32, #tpu.memory_space<vmem>>
      %dma_start3A_70 = tpu.memref_slice %arg3[%mul3A_5] : memref<160000xi32, #tpu.memory_space<hbm>> -> memref<5000xi32, #tpu.memory_space<hbm>>
      %dma_start3A_71 = arith.constant 0 : i32
      %dma_start3A_72 = tpu.memref_slice %arg8[%dma_start3A_71] : memref<5008xi32, #tpu.memory_space<vmem>> -> memref<5000xi32, #tpu.memory_space<vmem>>
      %dma_start3A_73 = tpu.memref_slice %arg3[%mul3A_5] : memref<160000xi32, #tpu.memory_space<hbm>> -> memref<5000xi32, #tpu.memory_space<hbm>>
      tpu.enqueue_dma source(%dma_start3A_73 : memref<5000xi32, #tpu.memory_space<hbm>>) target(%dma_start3A_72 : memref<5000xi32, #tpu.memory_space<vmem>>) target_semaphore(%run_scoped3A : memref<!tpu.dma_semaphore, #tpu.memory_space<semaphore_mem>>)
      %dma_wait3A = arith.constant 0 : i32
      %dma_wait3A_74 = tpu.memref_slice %arg8[%dma_wait3A] : memref<5008xi32, #tpu.memory_space<vmem>> -> memref<5000xi32, #tpu.memory_space<vmem>>
      %dma_wait3A_75 = tpu.memref_slice %arg3[%mul3A_5] : memref<160000xi32, #tpu.memory_space<hbm>> -> memref<5000xi32, #tpu.memory_space<hbm>>
      %dma_wait3A_76 = arith.constant 0 : i32
      %dma_wait3A_77 = tpu.memref_slice %arg8[%dma_wait3A_76] : memref<5008xi32, #tpu.memory_space<vmem>> -> memref<5000xi32, #tpu.memory_space<vmem>>
      %dma_wait3A_78 = tpu.memref_slice %arg3[%mul3A_5] : memref<160000xi32, #tpu.memory_space<hbm>> -> memref<5000xi32, #tpu.memory_space<hbm>>
      tpu.wait_dma2 semaphore(%run_scoped3A : memref<!tpu.dma_semaphore, #tpu.memory_space<semaphore_mem>>) src(%dma_wait3A_78 : memref<5000xi32, #tpu.memory_space<hbm>>) dst(%dma_wait3A_77 : memref<5000xi32, #tpu.memory_space<vmem>>)
      tpu.yield
    }) : () -> ()
    "tpu.region"() ({
      %run_scoped3A = tpu.sem_alloc : memref<!tpu.dma_semaphore, #tpu.memory_space<semaphore_mem>>
      tpu.enqueue_dma source(%arg4 : memref<10240xi32, #tpu.memory_space<hbm>>) target(%arg12 : memref<10240xi32, #tpu.memory_space<vmem>>) target_semaphore(%run_scoped3A : memref<!tpu.dma_semaphore, #tpu.memory_space<semaphore_mem>>)
      tpu.wait_dma2 semaphore(%run_scoped3A : memref<!tpu.dma_semaphore, #tpu.memory_space<semaphore_mem>>) src(%arg4 : memref<10240xi32, #tpu.memory_space<hbm>>) dst(%arg12 : memref<10240xi32, #tpu.memory_space<vmem>>)
      tpu.yield
    }) : () -> ()
    "tpu.region"() ({
      %run_scoped3A = tpu.sem_alloc : memref<!tpu.dma_semaphore, #tpu.memory_space<semaphore_mem>>
      tpu.enqueue_dma source(%arg5 : memref<10240xf32, #tpu.memory_space<hbm>>) target(%arg13 : memref<10240xf32, #tpu.memory_space<vmem>>) target_semaphore(%run_scoped3A : memref<!tpu.dma_semaphore, #tpu.memory_space<semaphore_mem>>)
      tpu.wait_dma2 semaphore(%run_scoped3A : memref<!tpu.dma_semaphore, #tpu.memory_space<semaphore_mem>>) src(%arg5 : memref<10240xf32, #tpu.memory_space<hbm>>) dst(%arg13 : memref<10240xf32, #tpu.memory_space<vmem>>)
      tpu.yield
    }) : () -> ()
    %scan3A = arith.constant 0 : i32
    %scan3A_6 = arith.constant 0 : i32
    %scan3A_7 = arith.constant 64 : i32
    %scan3A_8 = arith.addi %scan3A_6, %scan3A_7 : i32
    %scan3A_9 = arith.constant 1 : i32
    %scan3A_10 = scf.for %scan3A_69 = %scan3A_6 to %scan3A_8 step %scan3A_9 iter_args(%scan3A_70 = %scan3A) -> (i32)  : i32 {
      %mul3A_71 = arith.constant 16 : i32
      %mul3A_72 = arith.muli %scan3A_69, %mul3A_71 : i32
      %swap3A = arith.index_cast %mul3A_72 : i32 to index
      %swap3A_73 = tpu.vector_load %arg11[%swap3A] {strides = array<i32>} : memref<1024xf32, #tpu.memory_space<vmem>>, vector<16xf32>,
      tpu.vector_store %arg11[%swap3A], %broadcast_in_dim3A_1 {strides = array<i32>} : memref<1024xf32, #tpu.memory_space<vmem>>, vector<16xf32>,
      %scan3A_74 = arith.constant 0 : i32
      scf.yield %scan3A_74 : i32
    }
    %scan3A_11 = arith.constant 64 : i32
    %scan3A_12 = arith.constant 0 : i32
    %scan3A_13 = arith.constant 0 : i32
    %scan3A_14 = arith.constant 40 : i32
    %scan3A_15 = arith.addi %scan3A_13, %scan3A_14 : i32
    %scan3A_16 = arith.constant 1 : i32
    %scan3A_17 = scf.for %scan3A_69 = %scan3A_13 to %scan3A_15 step %scan3A_16 iter_args(%scan3A_70 = %scan3A_12) -> (i32)  : i32 {
      %mul3A_71 = arith.constant 40960 : i32
      %mul3A_72 = arith.muli %arg1, %mul3A_71 : i32
      %mul3A_73 = arith.constant 1024 : i32
      %mul3A_74 = arith.muli %scan3A_69, %mul3A_73 : i32
      %add3A_75 = arith.addi %mul3A_72, %mul3A_74 : i32
      "tpu.region"() ({
        %run_scoped3A = tpu.sem_alloc : memref<!tpu.dma_semaphore, #tpu.memory_space<semaphore_mem>>
        %dma_start3A = tpu.memref_slice %arg14[%add3A_75] : memref<655360xf32, #tpu.memory_space<vmem_shared>> -> memref<1024xf32, #tpu.memory_space<vmem_shared>>
        %dma_start3A_77 = tpu.memref_slice %arg14[%add3A_75] : memref<655360xf32, #tpu.memory_space<vmem_shared>> -> memref<1024xf32, #tpu.memory_space<vmem_shared>>
        tpu.enqueue_dma source(%arg11 : memref<1024xf32, #tpu.memory_space<vmem>>) target(%dma_start3A_77 : memref<1024xf32, #tpu.memory_space<vmem_shared>>) target_semaphore(%run_scoped3A : memref<!tpu.dma_semaphore, #tpu.memory_space<semaphore_mem>>)
        %dma_wait3A = tpu.memref_slice %arg14[%add3A_75] : memref<655360xf32, #tpu.memory_space<vmem_shared>> -> memref<1024xf32, #tpu.memory_space<vmem_shared>>
        %dma_wait3A_78 = tpu.memref_slice %arg14[%add3A_75] : memref<655360xf32, #tpu.memory_space<vmem_shared>> -> memref<1024xf32, #tpu.memory_space<vmem_shared>>
        tpu.wait_dma2 semaphore(%run_scoped3A : memref<!tpu.dma_semaphore, #tpu.memory_space<semaphore_mem>>) src(%arg11 : memref<1024xf32, #tpu.memory_space<vmem>>) dst(%dma_wait3A_78 : memref<1024xf32, #tpu.memory_space<vmem_shared>>)
        tpu.yield
      }) : () -> ()
      %scan3A_76 = arith.constant 0 : i32
      scf.yield %scan3A_76 : i32
    }
    %scan3A_18 = arith.constant 40 : i32
    %barrier3A = arith.constant 0 : index
    tpu.barrier barrier_id(%barrier3A)
    %iota3A = tpu.iota {dimensions = array<i32: 0>} : vector<16xi32>
    %broadcast_in_dim3A_19 = arith.constant 0.000000e+00 : f32
    %broadcast_in_dim3A_20 = vector.broadcast %broadcast_in_dim3A_19 : f32 to vector<16xf32>
    %broadcast_in_dim3A_21 = arith.constant 0 : i32
    %broadcast_in_dim3A_22 = vector.broadcast %broadcast_in_dim3A_21 : i32 to vector<16xi32>
    %scan3A_23 = arith.constant 0 : i32
    %scan3A_24 = arith.constant 40 : i32
    %scan3A_25 = arith.addi %scan3A_23, %scan3A_24 : i32
    %scan3A_26 = arith.constant 1 : i32
    scf.for %scan3A_69 = %scan3A_23 to %scan3A_25 step %scan3A_26  : i32 {
      %mul3A_70 = arith.constant 1 : i32
      %mul3A_71 = arith.muli %scan3A_69, %mul3A_70 : i32
      %add3A_72 = arith.constant 0 : i32
      %add3A_73 = arith.addi %add3A_72, %mul3A_71 : i32
      %mul3A_74 = arith.constant 125 : i32
      %mul3A_75 = arith.muli %add3A_73, %mul3A_74 : i32
      %add3A_76 = arith.constant 0 : i32
      %add3A_77 = arith.addi %mul3A_75, %add3A_76 : i32
      %get3A = arith.index_cast %add3A_77 : i32 to index
      %get3A_78 = tpu.vector_load %arg8[%get3A] {strides = array<i32>} : memref<5008xi32, #tpu.memory_space<vmem>>, vector<16xi32>,
      %mul3A_79 = arith.constant 125 : i32
      %mul3A_80 = arith.muli %add3A_73, %mul3A_79 : i32
      %add3A_81 = arith.constant 0 : i32
      %add3A_82 = arith.addi %mul3A_80, %add3A_81 : i32
      %get3A_83 = arith.index_cast %add3A_82 : i32 to index
      %get3A_84 = tpu.vector_load %arg7[%get3A_83] {strides = array<i32>} : memref<5008xi32, #tpu.memory_space<vmem>>, vector<16xi32>,
      %gather3A = tpu.vector_load_idx %arg12[%get3A_78] : memref<10240xi32, #tpu.memory_space<vmem>>[vector<16xi32>], vector<16xi32>,
      %gather3A_85 = tpu.vector_load_idx %arg13[%get3A_78] : memref<10240xf32, #tpu.memory_space<vmem>>[vector<16xi32>], vector<16xf32>,
      %max3A = arith.constant 0 : i32
      %max3A_86 = vector.broadcast %max3A : i32 to vector<16xi32>
      %max3A_87 = arith.maxsi %gather3A, %max3A_86 : vector<16xi32>
      %mul3A_88 = arith.constant 10240 : i32
      %mul3A_89 = vector.broadcast %mul3A_88 : i32 to vector<16xi32>
      %mul3A_90 = arith.muli %max3A_87, %mul3A_89 : vector<16xi32>
      %add3A_91 = arith.addi %mul3A_90, %get3A_84 : vector<16xi32>
      %swap3A = arith.constant 0 : index
      %swap3A_92 = tpu.vector_load %arg9[%swap3A] {strides = array<i32>} : memref<128xi32, #tpu.memory_space<vmem>>, vector<16xi32>,
      tpu.vector_store %arg9[%swap3A], %add3A_91 {strides = array<i32>} : memref<128xi32, #tpu.memory_space<vmem>>, vector<16xi32>,
      %swap3A_93 = arith.constant 0 : index
      %swap3A_94 = tpu.vector_load %arg10[%swap3A_93] {strides = array<i32>} : memref<128xf32, #tpu.memory_space<vmem>>, vector<16xf32>,
      tpu.vector_store %arg10[%swap3A_93], %gather3A_85 {strides = array<i32>} : memref<128xf32, #tpu.memory_space<vmem>>, vector<16xf32>,
      %mul3A_95 = arith.constant 125 : i32
      %mul3A_96 = arith.muli %add3A_73, %mul3A_95 : i32
      %add3A_97 = arith.constant 16 : i32
      %add3A_98 = arith.addi %mul3A_96, %add3A_97 : i32
      %get3A_99 = arith.index_cast %add3A_98 : i32 to index
      %get3A_100 = tpu.vector_load %arg8[%get3A_99] {strides = array<i32>} : memref<5008xi32, #tpu.memory_space<vmem>>, vector<16xi32>,
      %mul3A_101 = arith.constant 125 : i32
      %mul3A_102 = arith.muli %add3A_73, %mul3A_101 : i32
      %add3A_103 = arith.constant 16 : i32
      %add3A_104 = arith.addi %mul3A_102, %add3A_103 : i32
      %get3A_105 = arith.index_cast %add3A_104 : i32 to index
      %get3A_106 = tpu.vector_load %arg7[%get3A_105] {strides = array<i32>} : memref<5008xi32, #tpu.memory_space<vmem>>, vector<16xi32>,
      %gather3A_107 = tpu.vector_load_idx %arg12[%get3A_100] : memref<10240xi32, #tpu.memory_space<vmem>>[vector<16xi32>], vector<16xi32>,
      %gather3A_108 = tpu.vector_load_idx %arg13[%get3A_100] : memref<10240xf32, #tpu.memory_space<vmem>>[vector<16xi32>], vector<16xf32>,
      %max3A_109 = arith.constant 0 : i32
      %max3A_110 = vector.broadcast %max3A_109 : i32 to vector<16xi32>
      %max3A_111 = arith.maxsi %gather3A_107, %max3A_110 : vector<16xi32>
      %mul3A_112 = arith.constant 10240 : i32
      %mul3A_113 = vector.broadcast %mul3A_112 : i32 to vector<16xi32>
      %mul3A_114 = arith.muli %max3A_111, %mul3A_113 : vector<16xi32>
      %add3A_115 = arith.addi %mul3A_114, %get3A_106 : vector<16xi32>
      %swap3A_116 = arith.constant 16 : index
      %swap3A_117 = tpu.vector_load %arg9[%swap3A_116] {strides = array<i32>} : memref<128xi32, #tpu.memory_space<vmem>>, vector<16xi32>,
      tpu.vector_store %arg9[%swap3A_116], %add3A_115 {strides = array<i32>} : memref<128xi32, #tpu.memory_space<vmem>>, vector<16xi32>,
      %swap3A_118 = arith.constant 16 : index
      %swap3A_119 = tpu.vector_load %arg10[%swap3A_118] {strides = array<i32>} : memref<128xf32, #tpu.memory_space<vmem>>, vector<16xf32>,
      tpu.vector_store %arg10[%swap3A_118], %gather3A_108 {strides = array<i32>} : memref<128xf32, #tpu.memory_space<vmem>>, vector<16xf32>,
      %mul3A_120 = arith.constant 125 : i32
      %mul3A_121 = arith.muli %add3A_73, %mul3A_120 : i32
      %add3A_122 = arith.constant 32 : i32
      %add3A_123 = arith.addi %mul3A_121, %add3A_122 : i32
      %get3A_124 = arith.index_cast %add3A_123 : i32 to index
      %get3A_125 = tpu.vector_load %arg8[%get3A_124] {strides = array<i32>} : memref<5008xi32, #tpu.memory_space<vmem>>, vector<16xi32>,
      %mul3A_126 = arith.constant 125 : i32
      %mul3A_127 = arith.muli %add3A_73, %mul3A_126 : i32
      %add3A_128 = arith.constant 32 : i32
      %add3A_129 = arith.addi %mul3A_127, %add3A_128 : i32
      %get3A_130 = arith.index_cast %add3A_129 : i32 to index
      %get3A_131 = tpu.vector_load %arg7[%get3A_130] {strides = array<i32>} : memref<5008xi32, #tpu.memory_space<vmem>>, vector<16xi32>,
      %gather3A_132 = tpu.vector_load_idx %arg12[%get3A_125] : memref<10240xi32, #tpu.memory_space<vmem>>[vector<16xi32>], vector<16xi32>,
      %gather3A_133 = tpu.vector_load_idx %arg13[%get3A_125] : memref<10240xf32, #tpu.memory_space<vmem>>[vector<16xi32>], vector<16xf32>,
      %max3A_134 = arith.constant 0 : i32
      %max3A_135 = vector.broadcast %max3A_134 : i32 to vector<16xi32>
      %max3A_136 = arith.maxsi %gather3A_132, %max3A_135 : vector<16xi32>
      %mul3A_137 = arith.constant 10240 : i32
      %mul3A_138 = vector.broadcast %mul3A_137 : i32 to vector<16xi32>
      %mul3A_139 = arith.muli %max3A_136, %mul3A_138 : vector<16xi32>
      %add3A_140 = arith.addi %mul3A_139, %get3A_131 : vector<16xi32>
      %swap3A_141 = arith.constant 32 : index
      %swap3A_142 = tpu.vector_load %arg9[%swap3A_141] {strides = array<i32>} : memref<128xi32, #tpu.memory_space<vmem>>, vector<16xi32>,
      tpu.vector_store %arg9[%swap3A_141], %add3A_140 {strides = array<i32>} : memref<128xi32, #tpu.memory_space<vmem>>, vector<16xi32>,
      %swap3A_143 = arith.constant 32 : index
      %swap3A_144 = tpu.vector_load %arg10[%swap3A_143] {strides = array<i32>} : memref<128xf32, #tpu.memory_space<vmem>>, vector<16xf32>,
      tpu.vector_store %arg10[%swap3A_143], %gather3A_133 {strides = array<i32>} : memref<128xf32, #tpu.memory_space<vmem>>, vector<16xf32>,
      %mul3A_145 = arith.constant 125 : i32
      %mul3A_146 = arith.muli %add3A_73, %mul3A_145 : i32
      %add3A_147 = arith.constant 48 : i32
      %add3A_148 = arith.addi %mul3A_146, %add3A_147 : i32
      %get3A_149 = arith.index_cast %add3A_148 : i32 to index
      %get3A_150 = tpu.vector_load %arg8[%get3A_149] {strides = array<i32>} : memref<5008xi32, #tpu.memory_space<vmem>>, vector<16xi32>,
      %mul3A_151 = arith.constant 125 : i32
      %mul3A_152 = arith.muli %add3A_73, %mul3A_151 : i32
      %add3A_153 = arith.constant 48 : i32
      %add3A_154 = arith.addi %mul3A_152, %add3A_153 : i32
      %get3A_155 = arith.index_cast %add3A_154 : i32 to index
      %get3A_156 = tpu.vector_load %arg7[%get3A_155] {strides = array<i32>} : memref<5008xi32, #tpu.memory_space<vmem>>, vector<16xi32>,
      %gather3A_157 = tpu.vector_load_idx %arg12[%get3A_150] : memref<10240xi32, #tpu.memory_space<vmem>>[vector<16xi32>], vector<16xi32>,
      %gather3A_158 = tpu.vector_load_idx %arg13[%get3A_150] : memref<10240xf32, #tpu.memory_space<vmem>>[vector<16xi32>], vector<16xf32>,
      %max3A_159 = arith.constant 0 : i32
      %max3A_160 = vector.broadcast %max3A_159 : i32 to vector<16xi32>
      %max3A_161 = arith.maxsi %gather3A_157, %max3A_160 : vector<16xi32>
      %mul3A_162 = arith.constant 10240 : i32
      %mul3A_163 = vector.broadcast %mul3A_162 : i32 to vector<16xi32>
      %mul3A_164 = arith.muli %max3A_161, %mul3A_163 : vector<16xi32>
      %add3A_165 = arith.addi %mul3A_164, %get3A_156 : vector<16xi32>
      %swap3A_166 = arith.constant 48 : index
      %swap3A_167 = tpu.vector_load %arg9[%swap3A_166] {strides = array<i32>} : memref<128xi32, #tpu.memory_space<vmem>>, vector<16xi32>,
      tpu.vector_store %arg9[%swap3A_166], %add3A_165 {strides = array<i32>} : memref<128xi32, #tpu.memory_space<vmem>>, vector<16xi32>,
      %swap3A_168 = arith.constant 48 : index
      %swap3A_169 = tpu.vector_load %arg10[%swap3A_168] {strides = array<i32>} : memref<128xf32, #tpu.memory_space<vmem>>, vector<16xf32>,
      tpu.vector_store %arg10[%swap3A_168], %gather3A_158 {strides = array<i32>} : memref<128xf32, #tpu.memory_space<vmem>>, vector<16xf32>,
      %mul3A_170 = arith.constant 125 : i32
      %mul3A_171 = arith.muli %add3A_73, %mul3A_170 : i32
      %add3A_172 = arith.constant 64 : i32
      %add3A_173 = arith.addi %mul3A_171, %add3A_172 : i32
      %get3A_174 = arith.index_cast %add3A_173 : i32 to index
      %get3A_175 = tpu.vector_load %arg8[%get3A_174] {strides = array<i32>} : memref<5008xi32, #tpu.memory_space<vmem>>, vector<16xi32>,
      %mul3A_176 = arith.constant 125 : i32
      %mul3A_177 = arith.muli %add3A_73, %mul3A_176 : i32
      %add3A_178 = arith.constant 64 : i32
      %add3A_179 = arith.addi %mul3A_177, %add3A_178 : i32
      %get3A_180 = arith.index_cast %add3A_179 : i32 to index
      %get3A_181 = tpu.vector_load %arg7[%get3A_180] {strides = array<i32>} : memref<5008xi32, #tpu.memory_space<vmem>>, vector<16xi32>,
      %gather3A_182 = tpu.vector_load_idx %arg12[%get3A_175] : memref<10240xi32, #tpu.memory_space<vmem>>[vector<16xi32>], vector<16xi32>,
      %gather3A_183 = tpu.vector_load_idx %arg13[%get3A_175] : memref<10240xf32, #tpu.memory_space<vmem>>[vector<16xi32>], vector<16xf32>,
      %max3A_184 = arith.constant 0 : i32
      %max3A_185 = vector.broadcast %max3A_184 : i32 to vector<16xi32>
      %max3A_186 = arith.maxsi %gather3A_182, %max3A_185 : vector<16xi32>
      %mul3A_187 = arith.constant 10240 : i32
      %mul3A_188 = vector.broadcast %mul3A_187 : i32 to vector<16xi32>
      %mul3A_189 = arith.muli %max3A_186, %mul3A_188 : vector<16xi32>
      %add3A_190 = arith.addi %mul3A_189, %get3A_181 : vector<16xi32>
      %swap3A_191 = arith.constant 64 : index
      %swap3A_192 = tpu.vector_load %arg9[%swap3A_191] {strides = array<i32>} : memref<128xi32, #tpu.memory_space<vmem>>, vector<16xi32>,
      tpu.vector_store %arg9[%swap3A_191], %add3A_190 {strides = array<i32>} : memref<128xi32, #tpu.memory_space<vmem>>, vector<16xi32>,
      %swap3A_193 = arith.constant 64 : index
      %swap3A_194 = tpu.vector_load %arg10[%swap3A_193] {strides = array<i32>} : memref<128xf32, #tpu.memory_space<vmem>>, vector<16xf32>,
      tpu.vector_store %arg10[%swap3A_193], %gather3A_183 {strides = array<i32>} : memref<128xf32, #tpu.memory_space<vmem>>, vector<16xf32>,
      %mul3A_195 = arith.constant 125 : i32
      %mul3A_196 = arith.muli %add3A_73, %mul3A_195 : i32
      %add3A_197 = arith.constant 80 : i32
      %add3A_198 = arith.addi %mul3A_196, %add3A_197 : i32
      %get3A_199 = arith.index_cast %add3A_198 : i32 to index
      %get3A_200 = tpu.vector_load %arg8[%get3A_199] {strides = array<i32>} : memref<5008xi32, #tpu.memory_space<vmem>>, vector<16xi32>,
      %mul3A_201 = arith.constant 125 : i32
      %mul3A_202 = arith.muli %add3A_73, %mul3A_201 : i32
      %add3A_203 = arith.constant 80 : i32
      %add3A_204 = arith.addi %mul3A_202, %add3A_203 : i32
      %get3A_205 = arith.index_cast %add3A_204 : i32 to index
      %get3A_206 = tpu.vector_load %arg7[%get3A_205] {strides = array<i32>} : memref<5008xi32, #tpu.memory_space<vmem>>, vector<16xi32>,
      %gather3A_207 = tpu.vector_load_idx %arg12[%get3A_200] : memref<10240xi32, #tpu.memory_space<vmem>>[vector<16xi32>], vector<16xi32>,
      %gather3A_208 = tpu.vector_load_idx %arg13[%get3A_200] : memref<10240xf32, #tpu.memory_space<vmem>>[vector<16xi32>], vector<16xf32>,
      %max3A_209 = arith.constant 0 : i32
      %max3A_210 = vector.broadcast %max3A_209 : i32 to vector<16xi32>
      %max3A_211 = arith.maxsi %gather3A_207, %max3A_210 : vector<16xi32>
      %mul3A_212 = arith.constant 10240 : i32
      %mul3A_213 = vector.broadcast %mul3A_212 : i32 to vector<16xi32>
      %mul3A_214 = arith.muli %max3A_211, %mul3A_213 : vector<16xi32>
      %add3A_215 = arith.addi %mul3A_214, %get3A_206 : vector<16xi32>
      %swap3A_216 = arith.constant 80 : index
      %swap3A_217 = tpu.vector_load %arg9[%swap3A_216] {strides = array<i32>} : memref<128xi32, #tpu.memory_space<vmem>>, vector<16xi32>,
      tpu.vector_store %arg9[%swap3A_216], %add3A_215 {strides = array<i32>} : memref<128xi32, #tpu.memory_space<vmem>>, vector<16xi32>,
      %swap3A_218 = arith.constant 80 : index
      %swap3A_219 = tpu.vector_load %arg10[%swap3A_218] {strides = array<i32>} : memref<128xf32, #tpu.memory_space<vmem>>, vector<16xf32>,
      tpu.vector_store %arg10[%swap3A_218], %gather3A_208 {strides = array<i32>} : memref<128xf32, #tpu.memory_space<vmem>>, vector<16xf32>,
      %mul3A_220 = arith.constant 125 : i32
      %mul3A_221 = arith.muli %add3A_73, %mul3A_220 : i32
      %add3A_222 = arith.constant 96 : i32
      %add3A_223 = arith.addi %mul3A_221, %add3A_222 : i32
      %get3A_224 = arith.index_cast %add3A_223 : i32 to index
      %get3A_225 = tpu.vector_load %arg8[%get3A_224] {strides = array<i32>} : memref<5008xi32, #tpu.memory_space<vmem>>, vector<16xi32>,
      %mul3A_226 = arith.constant 125 : i32
      %mul3A_227 = arith.muli %add3A_73, %mul3A_226 : i32
      %add3A_228 = arith.constant 96 : i32
      %add3A_229 = arith.addi %mul3A_227, %add3A_228 : i32
      %get3A_230 = arith.index_cast %add3A_229 : i32 to index
      %get3A_231 = tpu.vector_load %arg7[%get3A_230] {strides = array<i32>} : memref<5008xi32, #tpu.memory_space<vmem>>, vector<16xi32>,
      %gather3A_232 = tpu.vector_load_idx %arg12[%get3A_225] : memref<10240xi32, #tpu.memory_space<vmem>>[vector<16xi32>], vector<16xi32>,
      %gather3A_233 = tpu.vector_load_idx %arg13[%get3A_225] : memref<10240xf32, #tpu.memory_space<vmem>>[vector<16xi32>], vector<16xf32>,
      %max3A_234 = arith.constant 0 : i32
      %max3A_235 = vector.broadcast %max3A_234 : i32 to vector<16xi32>
      %max3A_236 = arith.maxsi %gather3A_232, %max3A_235 : vector<16xi32>
      %mul3A_237 = arith.constant 10240 : i32
      %mul3A_238 = vector.broadcast %mul3A_237 : i32 to vector<16xi32>
      %mul3A_239 = arith.muli %max3A_236, %mul3A_238 : vector<16xi32>
      %add3A_240 = arith.addi %mul3A_239, %get3A_231 : vector<16xi32>
      %swap3A_241 = arith.constant 96 : index
      %swap3A_242 = tpu.vector_load %arg9[%swap3A_241] {strides = array<i32>} : memref<128xi32, #tpu.memory_space<vmem>>, vector<16xi32>,
      tpu.vector_store %arg9[%swap3A_241], %add3A_240 {strides = array<i32>} : memref<128xi32, #tpu.memory_space<vmem>>, vector<16xi32>,
      %swap3A_243 = arith.constant 96 : index
      %swap3A_244 = tpu.vector_load %arg10[%swap3A_243] {strides = array<i32>} : memref<128xf32, #tpu.memory_space<vmem>>, vector<16xf32>,
      tpu.vector_store %arg10[%swap3A_243], %gather3A_233 {strides = array<i32>} : memref<128xf32, #tpu.memory_space<vmem>>, vector<16xf32>,
      %mul3A_245 = arith.constant 125 : i32
      %mul3A_246 = arith.muli %add3A_73, %mul3A_245 : i32
      %add3A_247 = arith.constant 112 : i32
      %add3A_248 = arith.addi %mul3A_246, %add3A_247 : i32
      %get3A_249 = arith.index_cast %add3A_248 : i32 to index
      %get3A_250 = tpu.vector_load %arg8[%get3A_249] {strides = array<i32>} : memref<5008xi32, #tpu.memory_space<vmem>>, vector<16xi32>,
      %mul3A_251 = arith.constant 125 : i32
      %mul3A_252 = arith.muli %add3A_73, %mul3A_251 : i32
      %add3A_253 = arith.constant 112 : i32
      %add3A_254 = arith.addi %mul3A_252, %add3A_253 : i32
      %get3A_255 = arith.index_cast %add3A_254 : i32 to index
      %get3A_256 = tpu.vector_load %arg7[%get3A_255] {strides = array<i32>} : memref<5008xi32, #tpu.memory_space<vmem>>, vector<16xi32>,
      %lt3A = arith.constant 13 : i32
      %lt3A_257 = vector.broadcast %lt3A : i32 to vector<16xi32>
      %lt3A_258 = arith.cmpi slt, %iota3A, %lt3A_257 : vector<16xi32>
      %select_n3A = arith.select %lt3A_258, %get3A_250, %broadcast_in_dim3A_22 : vector<16xi1>, vector<16xi32>
      %select_n3A_259 = arith.select %lt3A_258, %get3A_256, %broadcast_in_dim3A_22 : vector<16xi1>, vector<16xi32>
      %gather3A_260 = tpu.vector_load_idx %arg12[%select_n3A] : memref<10240xi32, #tpu.memory_space<vmem>>[vector<16xi32>], vector<16xi32>,
      %gather3A_261 = tpu.vector_load_idx %arg13[%select_n3A] : memref<10240xf32, #tpu.memory_space<vmem>>[vector<16xi32>], vector<16xf32>,
      %lt3A_262 = arith.constant 13 : i32
      %lt3A_263 = vector.broadcast %lt3A_262 : i32 to vector<16xi32>
      %lt3A_264 = arith.cmpi slt, %iota3A, %lt3A_263 : vector<16xi32>
      %select_n3A_265 = arith.select %lt3A_264, %gather3A_261, %broadcast_in_dim3A_20 : vector<16xi1>, vector<16xf32>
      %max3A_266 = arith.constant 0 : i32
      %max3A_267 = vector.broadcast %max3A_266 : i32 to vector<16xi32>
      %max3A_268 = arith.maxsi %gather3A_260, %max3A_267 : vector<16xi32>
      %mul3A_269 = arith.constant 10240 : i32
      %mul3A_270 = vector.broadcast %mul3A_269 : i32 to vector<16xi32>
      %mul3A_271 = arith.muli %max3A_268, %mul3A_270 : vector<16xi32>
      %add3A_272 = arith.addi %mul3A_271, %select_n3A_259 : vector<16xi32>
      %swap3A_273 = arith.constant 112 : index
      %swap3A_274 = tpu.vector_load %arg9[%swap3A_273] {strides = array<i32>} : memref<128xi32, #tpu.memory_space<vmem>>, vector<16xi32>,
      tpu.vector_store %arg9[%swap3A_273], %add3A_272 {strides = array<i32>} : memref<128xi32, #tpu.memory_space<vmem>>, vector<16xi32>,
      %swap3A_275 = arith.constant 112 : index
      %swap3A_276 = tpu.vector_load %arg10[%swap3A_275] {strides = array<i32>} : memref<128xf32, #tpu.memory_space<vmem>>, vector<16xf32>,
      tpu.vector_store %arg10[%swap3A_275], %select_n3A_265 {strides = array<i32>} : memref<128xf32, #tpu.memory_space<vmem>>, vector<16xf32>,
      "tpu.region"() ({
        %run_scoped3A = tpu.sem_alloc : memref<!tpu.dma_semaphore, #tpu.memory_space<semaphore_mem>>
        %dma_start3A = arith.constant 0 : i32
        %dma_start3A_277 = tpu.memref_slice %arg14[%dma_start3A] : memref<655360xf32, #tpu.memory_space<vmem_shared>> -> memref<655360xf32, #tpu.memory_space<vmem_shared>>
        tpu.enqueue_indirect_dma source(%arg10 : memref<128xf32, #tpu.memory_space<vmem>>) target(%dma_start3A_277 : memref<655360xf32, #tpu.memory_space<vmem_shared>>) offsets(%arg9 : memref<128xi32, #tpu.memory_space<vmem>>) semaphore(%run_scoped3A : memref<!tpu.dma_semaphore, #tpu.memory_space<semaphore_mem>>) {add = true}
        %dma_wait3A = arith.constant 0 : i32
        %dma_wait3A_278 = tpu.memref_slice %arg14[%dma_wait3A] : memref<655360xf32, #tpu.memory_space<vmem_shared>> -> memref<655360xf32, #tpu.memory_space<vmem_shared>>
        tpu.wait_indirect_dma semaphore(%run_scoped3A : memref<!tpu.dma_semaphore, #tpu.memory_space<semaphore_mem>>) src(%arg10 : memref<128xf32, #tpu.memory_space<vmem>>) dst(%dma_wait3A_278 : memref<655360xf32, #tpu.memory_space<vmem_shared>>)
        tpu.yield
      }) : () -> ()
    }
    %scan3A_27 = arith.constant 40 : i32
    %barrier3A_28 = arith.constant 0 : index
    tpu.barrier barrier_id(%barrier3A_28)
    %mul3A_29 = arith.constant 4 : i32
    %mul3A_30 = arith.muli %arg1, %mul3A_29 : i32
    %add3A_31 = arith.constant 0 : i32
    %add3A_32 = arith.addi %mul3A_30, %add3A_31 : i32
    %mul3A_33 = arith.constant 10240 : i32
    %mul3A_34 = arith.muli %add3A_32, %mul3A_33 : i32
    %mul3A_35 = arith.constant 4 : i32
    %mul3A_36 = arith.muli %arg1, %mul3A_35 : i32
    %add3A_37 = arith.constant 0 : i32
    %add3A_38 = arith.addi %mul3A_36, %add3A_37 : i32
    "tpu.region"() ({
      %run_scoped3A = tpu.sem_alloc : memref<!tpu.dma_semaphore, #tpu.memory_space<semaphore_mem>>
      %dma_start3A = arith.constant 0 : i32
      %dma_start3A_69 = tpu.memref_slice %arg6[%arg0, %add3A_38, %dma_start3A] : memref<2x64x10240xf32, #tpu.memory_space<hbm>> -> memref<1x1x10240xf32, #tpu.memory_space<hbm>>
      %dma_start3A_70 = tpu.memref_squeeze %dma_start3A_69 : memref<1x1x10240xf32, #tpu.memory_space<hbm>> -> memref<10240xf32, #tpu.memory_space<hbm>>
      %dma_start3A_71 = tpu.memref_slice %arg14[%mul3A_34] : memref<655360xf32, #tpu.memory_space<vmem_shared>> -> memref<10240xf32, #tpu.memory_space<vmem_shared>>
      tpu.enqueue_dma source(%dma_start3A_71 : memref<10240xf32, #tpu.memory_space<vmem_shared>>) target(%dma_start3A_70 : memref<10240xf32, #tpu.memory_space<hbm>>) target_semaphore(%run_scoped3A : memref<!tpu.dma_semaphore, #tpu.memory_space<semaphore_mem>>)
      %dma_wait3A = arith.constant 0 : i32
      %dma_wait3A_72 = tpu.memref_slice %arg6[%arg0, %add3A_38, %dma_wait3A] : memref<2x64x10240xf32, #tpu.memory_space<hbm>> -> memref<1x1x10240xf32, #tpu.memory_space<hbm>>
      %dma_wait3A_73 = tpu.memref_squeeze %dma_wait3A_72 : memref<1x1x10240xf32, #tpu.memory_space<hbm>> -> memref<10240xf32, #tpu.memory_space<hbm>>
      %dma_wait3A_74 = tpu.memref_slice %arg14[%mul3A_34] : memref<655360xf32, #tpu.memory_space<vmem_shared>> -> memref<10240xf32, #tpu.memory_space<vmem_shared>>
      tpu.wait_dma2 semaphore(%run_scoped3A : memref<!tpu.dma_semaphore, #tpu.memory_space<semaphore_mem>>) src(%dma_wait3A_74 : memref<10240xf32, #tpu.memory_space<vmem_shared>>) dst(%dma_wait3A_73 : memref<10240xf32, #tpu.memory_space<hbm>>)
      tpu.yield
    }) : () -> ()
    %mul3A_39 = arith.constant 4 : i32
    %mul3A_40 = arith.muli %arg1, %mul3A_39 : i32
    %add3A_41 = arith.constant 1 : i32
    %add3A_42 = arith.addi %mul3A_40, %add3A_41 : i32
    %mul3A_43 = arith.constant 10240 : i32
    %mul3A_44 = arith.muli %add3A_42, %mul3A_43 : i32
    %mul3A_45 = arith.constant 4 : i32
    %mul3A_46 = arith.muli %arg1, %mul3A_45 : i32
    %add3A_47 = arith.constant 1 : i32
    %add3A_48 = arith.addi %mul3A_46, %add3A_47 : i32
    "tpu.region"() ({
      %run_scoped3A = tpu.sem_alloc : memref<!tpu.dma_semaphore, #tpu.memory_space<semaphore_mem>>
      %dma_start3A = arith.constant 0 : i32
      %dma_start3A_69 = tpu.memref_slice %arg6[%arg0, %add3A_48, %dma_start3A] : memref<2x64x10240xf32, #tpu.memory_space<hbm>> -> memref<1x1x10240xf32, #tpu.memory_space<hbm>>
      %dma_start3A_70 = tpu.memref_squeeze %dma_start3A_69 : memref<1x1x10240xf32, #tpu.memory_space<hbm>> -> memref<10240xf32, #tpu.memory_space<hbm>>
      %dma_start3A_71 = tpu.memref_slice %arg14[%mul3A_44] : memref<655360xf32, #tpu.memory_space<vmem_shared>> -> memref<10240xf32, #tpu.memory_space<vmem_shared>>
      tpu.enqueue_dma source(%dma_start3A_71 : memref<10240xf32, #tpu.memory_space<vmem_shared>>) target(%dma_start3A_70 : memref<10240xf32, #tpu.memory_space<hbm>>) target_semaphore(%run_scoped3A : memref<!tpu.dma_semaphore, #tpu.memory_space<semaphore_mem>>)
      %dma_wait3A = arith.constant 0 : i32
      %dma_wait3A_72 = tpu.memref_slice %arg6[%arg0, %add3A_48, %dma_wait3A] : memref<2x64x10240xf32, #tpu.memory_space<hbm>> -> memref<1x1x10240xf32, #tpu.memory_space<hbm>>
      %dma_wait3A_73 = tpu.memref_squeeze %dma_wait3A_72 : memref<1x1x10240xf32, #tpu.memory_space<hbm>> -> memref<10240xf32, #tpu.memory_space<hbm>>
      %dma_wait3A_74 = tpu.memref_slice %arg14[%mul3A_44] : memref<655360xf32, #tpu.memory_space<vmem_shared>> -> memref<10240xf32, #tpu.memory_space<vmem_shared>>
      tpu.wait_dma2 semaphore(%run_scoped3A : memref<!tpu.dma_semaphore, #tpu.memory_space<semaphore_mem>>) src(%dma_wait3A_74 : memref<10240xf32, #tpu.memory_space<vmem_shared>>) dst(%dma_wait3A_73 : memref<10240xf32, #tpu.memory_space<hbm>>)
      tpu.yield
    }) : () -> ()
    %mul3A_49 = arith.constant 4 : i32
    %mul3A_50 = arith.muli %arg1, %mul3A_49 : i32
    %add3A_51 = arith.constant 2 : i32
    %add3A_52 = arith.addi %mul3A_50, %add3A_51 : i32
    %mul3A_53 = arith.constant 10240 : i32
    %mul3A_54 = arith.muli %add3A_52, %mul3A_53 : i32
    %mul3A_55 = arith.constant 4 : i32
    %mul3A_56 = arith.muli %arg1, %mul3A_55 : i32
    %add3A_57 = arith.constant 2 : i32
    %add3A_58 = arith.addi %mul3A_56, %add3A_57 : i32
    "tpu.region"() ({
      %run_scoped3A = tpu.sem_alloc : memref<!tpu.dma_semaphore, #tpu.memory_space<semaphore_mem>>
      %dma_start3A = arith.constant 0 : i32
      %dma_start3A_69 = tpu.memref_slice %arg6[%arg0, %add3A_58, %dma_start3A] : memref<2x64x10240xf32, #tpu.memory_space<hbm>> -> memref<1x1x10240xf32, #tpu.memory_space<hbm>>
      %dma_start3A_70 = tpu.memref_squeeze %dma_start3A_69 : memref<1x1x10240xf32, #tpu.memory_space<hbm>> -> memref<10240xf32, #tpu.memory_space<hbm>>
      %dma_start3A_71 = tpu.memref_slice %arg14[%mul3A_54] : memref<655360xf32, #tpu.memory_space<vmem_shared>> -> memref<10240xf32, #tpu.memory_space<vmem_shared>>
      tpu.enqueue_dma source(%dma_start3A_71 : memref<10240xf32, #tpu.memory_space<vmem_shared>>) target(%dma_start3A_70 : memref<10240xf32, #tpu.memory_space<hbm>>) target_semaphore(%run_scoped3A : memref<!tpu.dma_semaphore, #tpu.memory_space<semaphore_mem>>)
      %dma_wait3A = arith.constant 0 : i32
      %dma_wait3A_72 = tpu.memref_slice %arg6[%arg0, %add3A_58, %dma_wait3A] : memref<2x64x10240xf32, #tpu.memory_space<hbm>> -> memref<1x1x10240xf32, #tpu.memory_space<hbm>>
      %dma_wait3A_73 = tpu.memref_squeeze %dma_wait3A_72 : memref<1x1x10240xf32, #tpu.memory_space<hbm>> -> memref<10240xf32, #tpu.memory_space<hbm>>
      %dma_wait3A_74 = tpu.memref_slice %arg14[%mul3A_54] : memref<655360xf32, #tpu.memory_space<vmem_shared>> -> memref<10240xf32, #tpu.memory_space<vmem_shared>>
      tpu.wait_dma2 semaphore(%run_scoped3A : memref<!tpu.dma_semaphore, #tpu.memory_space<semaphore_mem>>) src(%dma_wait3A_74 : memref<10240xf32, #tpu.memory_space<vmem_shared>>) dst(%dma_wait3A_73 : memref<10240xf32, #tpu.memory_space<hbm>>)
      tpu.yield
    }) : () -> ()
    %mul3A_59 = arith.constant 4 : i32
    %mul3A_60 = arith.muli %arg1, %mul3A_59 : i32
    %add3A_61 = arith.constant 3 : i32
    %add3A_62 = arith.addi %mul3A_60, %add3A_61 : i32
    %mul3A_63 = arith.constant 10240 : i32
    %mul3A_64 = arith.muli %add3A_62, %mul3A_63 : i32
    %mul3A_65 = arith.constant 4 : i32
    %mul3A_66 = arith.muli %arg1, %mul3A_65 : i32
    %add3A_67 = arith.constant 3 : i32
    %add3A_68 = arith.addi %mul3A_66, %add3A_67 : i32
    "tpu.region"() ({
      %run_scoped3A = tpu.sem_alloc : memref<!tpu.dma_semaphore, #tpu.memory_space<semaphore_mem>>
      %dma_start3A = arith.constant 0 : i32
      %dma_start3A_69 = tpu.memref_slice %arg6[%arg0, %add3A_68, %dma_start3A] : memref<2x64x10240xf32, #tpu.memory_space<hbm>> -> memref<1x1x10240xf32, #tpu.memory_space<hbm>>
      %dma_start3A_70 = tpu.memref_squeeze %dma_start3A_69 : memref<1x1x10240xf32, #tpu.memory_space<hbm>> -> memref<10240xf32, #tpu.memory_space<hbm>>
      %dma_start3A_71 = tpu.memref_slice %arg14[%mul3A_64] : memref<655360xf32, #tpu.memory_space<vmem_shared>> -> memref<10240xf32, #tpu.memory_space<vmem_shared>>
      tpu.enqueue_dma source(%dma_start3A_71 : memref<10240xf32, #tpu.memory_space<vmem_shared>>) target(%dma_start3A_70 : memref<10240xf32, #tpu.memory_space<hbm>>) target_semaphore(%run_scoped3A : memref<!tpu.dma_semaphore, #tpu.memory_space<semaphore_mem>>)
      %dma_wait3A = arith.constant 0 : i32
      %dma_wait3A_72 = tpu.memref_slice %arg6[%arg0, %add3A_68, %dma_wait3A] : memref<2x64x10240xf32, #tpu.memory_space<hbm>> -> memref<1x1x10240xf32, #tpu.memory_space<hbm>>
      %dma_wait3A_73 = tpu.memref_squeeze %dma_wait3A_72 : memref<1x1x10240xf32, #tpu.memory_space<hbm>> -> memref<10240xf32, #tpu.memory_space<hbm>>
      %dma_wait3A_74 = tpu.memref_slice %arg14[%mul3A_64] : memref<655360xf32, #tpu.memory_space<vmem_shared>> -> memref<10240xf32, #tpu.memory_space<vmem_shared>>
      tpu.wait_dma2 semaphore(%run_scoped3A : memref<!tpu.dma_semaphore, #tpu.memory_space<semaphore_mem>>) src(%dma_wait3A_74 : memref<10240xf32, #tpu.memory_space<vmem_shared>>) dst(%dma_wait3A_73 : memref<10240xf32, #tpu.memory_space<hbm>>)
      tpu.yield
    }) : () -> ()
    return
  }
}

#map = affine_map<(d0, d1) -> (0, 0)>
#map1 = affine_map<(d0, d1) -> (0, 0, 0)>
module attributes {stable_mosaic.version = 14 : i64} {
  func.func @_sc_a_body(%arg0: i32, %arg1: i32, %arg2: memref<10240x144xf32, #tpu.memory_space<hbm>>, %arg3: memref<32x40x125xi32, #tpu.memory_space<hbm>>, %arg4: memref<32x40x125xi32, #tpu.memory_space<hbm>>, %arg5: memref<2x10240x128xf32, #tpu.memory_space<hbm>>, %arg6: memref<2x10240x16xf32, #tpu.memory_space<hbm>>, %arg7: memref<40x125xi32, #tpu.memory_space<vmem>>, %arg8: memref<40x125xi32, #tpu.memory_space<vmem>>, %arg9: memref<125x144xf32, #tpu.memory_space<vmem>>, %arg10: memref<10240x144xf32, #tpu.memory_space<vmem_shared>>, %arg11: memref<!tpu.dma_semaphore, #tpu.memory_space<semaphore_mem>>) attributes {dimension_semantics = [#tpu.dimension_semantics<core_parallel>, #tpu.dimension_semantics<subcore_parallel>], iteration_bounds = array<i64: 2, 16>, scalar_prefetch = 0 : i64, scratch_operands = 5 : i64, tpu.core_type = #tpu.core_type<sc_vector_subcore>, window_params = [{transform_indices = #map}, {transform_indices = #map1}, {transform_indices = #map1}, {transform_indices = #map1}, {transform_indices = #map1}]} {
    %mul3A = arith.constant 16 : i32
    %mul3A_0 = arith.muli %arg0, %mul3A : i32
    %add3A = arith.addi %mul3A_0, %arg1 : i32
    %broadcast_in_dim3A = arith.constant 0.000000e+00 : f32
    %broadcast_in_dim3A_1 = vector.broadcast %broadcast_in_dim3A : f32 to vector<16xf32>
    "tpu.region"() ({
      %run_scoped3A = tpu.sem_alloc : memref<!tpu.dma_semaphore, #tpu.memory_space<semaphore_mem>>
      %dma_start3A = arith.constant 0 : i32
      %dma_start3A_33 = arith.constant 0 : i32
      %dma_start3A_34 = tpu.memref_slice %arg3[%add3A, %dma_start3A, %dma_start3A_33] : memref<32x40x125xi32, #tpu.memory_space<hbm>> -> memref<1x40x125xi32, #tpu.memory_space<hbm>>
      %dma_start3A_35 = tpu.memref_squeeze %dma_start3A_34 : memref<1x40x125xi32, #tpu.memory_space<hbm>> -> memref<40x125xi32, #tpu.memory_space<hbm>>
      %dma_start3A_36 = arith.constant 0 : i32
      %dma_start3A_37 = arith.constant 0 : i32
      %dma_start3A_38 = tpu.memref_slice %arg3[%add3A, %dma_start3A_36, %dma_start3A_37] : memref<32x40x125xi32, #tpu.memory_space<hbm>> -> memref<1x40x125xi32, #tpu.memory_space<hbm>>
      %dma_start3A_39 = tpu.memref_squeeze %dma_start3A_38 : memref<1x40x125xi32, #tpu.memory_space<hbm>> -> memref<40x125xi32, #tpu.memory_space<hbm>>
      tpu.enqueue_dma source(%dma_start3A_39 : memref<40x125xi32, #tpu.memory_space<hbm>>) target(%arg7 : memref<40x125xi32, #tpu.memory_space<vmem>>) target_semaphore(%run_scoped3A : memref<!tpu.dma_semaphore, #tpu.memory_space<semaphore_mem>>)
      %dma_wait3A = arith.constant 0 : i32
      %dma_wait3A_40 = arith.constant 0 : i32
      %dma_wait3A_41 = tpu.memref_slice %arg3[%add3A, %dma_wait3A, %dma_wait3A_40] : memref<32x40x125xi32, #tpu.memory_space<hbm>> -> memref<1x40x125xi32, #tpu.memory_space<hbm>>
      %dma_wait3A_42 = tpu.memref_squeeze %dma_wait3A_41 : memref<1x40x125xi32, #tpu.memory_space<hbm>> -> memref<40x125xi32, #tpu.memory_space<hbm>>
      %dma_wait3A_43 = arith.constant 0 : i32
      %dma_wait3A_44 = arith.constant 0 : i32
      %dma_wait3A_45 = tpu.memref_slice %arg3[%add3A, %dma_wait3A_43, %dma_wait3A_44] : memref<32x40x125xi32, #tpu.memory_space<hbm>> -> memref<1x40x125xi32, #tpu.memory_space<hbm>>
      %dma_wait3A_46 = tpu.memref_squeeze %dma_wait3A_45 : memref<1x40x125xi32, #tpu.memory_space<hbm>> -> memref<40x125xi32, #tpu.memory_space<hbm>>
      tpu.wait_dma2 semaphore(%run_scoped3A : memref<!tpu.dma_semaphore, #tpu.memory_space<semaphore_mem>>) src(%dma_wait3A_46 : memref<40x125xi32, #tpu.memory_space<hbm>>) dst(%arg7 : memref<40x125xi32, #tpu.memory_space<vmem>>)
      tpu.yield
    }) : () -> ()
    "tpu.region"() ({
      %run_scoped3A = tpu.sem_alloc : memref<!tpu.dma_semaphore, #tpu.memory_space<semaphore_mem>>
      %dma_start3A = arith.constant 0 : i32
      %dma_start3A_33 = arith.constant 0 : i32
      %dma_start3A_34 = tpu.memref_slice %arg4[%add3A, %dma_start3A, %dma_start3A_33] : memref<32x40x125xi32, #tpu.memory_space<hbm>> -> memref<1x40x125xi32, #tpu.memory_space<hbm>>
      %dma_start3A_35 = tpu.memref_squeeze %dma_start3A_34 : memref<1x40x125xi32, #tpu.memory_space<hbm>> -> memref<40x125xi32, #tpu.memory_space<hbm>>
      %dma_start3A_36 = arith.constant 0 : i32
      %dma_start3A_37 = arith.constant 0 : i32
      %dma_start3A_38 = tpu.memref_slice %arg4[%add3A, %dma_start3A_36, %dma_start3A_37] : memref<32x40x125xi32, #tpu.memory_space<hbm>> -> memref<1x40x125xi32, #tpu.memory_space<hbm>>
      %dma_start3A_39 = tpu.memref_squeeze %dma_start3A_38 : memref<1x40x125xi32, #tpu.memory_space<hbm>> -> memref<40x125xi32, #tpu.memory_space<hbm>>
      tpu.enqueue_dma source(%dma_start3A_39 : memref<40x125xi32, #tpu.memory_space<hbm>>) target(%arg8 : memref<40x125xi32, #tpu.memory_space<vmem>>) target_semaphore(%run_scoped3A : memref<!tpu.dma_semaphore, #tpu.memory_space<semaphore_mem>>)
      %dma_wait3A = arith.constant 0 : i32
      %dma_wait3A_40 = arith.constant 0 : i32
      %dma_wait3A_41 = tpu.memref_slice %arg4[%add3A, %dma_wait3A, %dma_wait3A_40] : memref<32x40x125xi32, #tpu.memory_space<hbm>> -> memref<1x40x125xi32, #tpu.memory_space<hbm>>
      %dma_wait3A_42 = tpu.memref_squeeze %dma_wait3A_41 : memref<1x40x125xi32, #tpu.memory_space<hbm>> -> memref<40x125xi32, #tpu.memory_space<hbm>>
      %dma_wait3A_43 = arith.constant 0 : i32
      %dma_wait3A_44 = arith.constant 0 : i32
      %dma_wait3A_45 = tpu.memref_slice %arg4[%add3A, %dma_wait3A_43, %dma_wait3A_44] : memref<32x40x125xi32, #tpu.memory_space<hbm>> -> memref<1x40x125xi32, #tpu.memory_space<hbm>>
      %dma_wait3A_46 = tpu.memref_squeeze %dma_wait3A_45 : memref<1x40x125xi32, #tpu.memory_space<hbm>> -> memref<40x125xi32, #tpu.memory_space<hbm>>
      tpu.wait_dma2 semaphore(%run_scoped3A : memref<!tpu.dma_semaphore, #tpu.memory_space<semaphore_mem>>) src(%dma_wait3A_46 : memref<40x125xi32, #tpu.memory_space<hbm>>) dst(%arg8 : memref<40x125xi32, #tpu.memory_space<vmem>>)
      tpu.yield
    }) : () -> ()
    %scan3A = arith.constant 0 : i32
    %scan3A_2 = arith.constant 0 : i32
    %scan3A_3 = arith.constant 1125 : i32
    %scan3A_4 = arith.addi %scan3A_2, %scan3A_3 : i32
    %scan3A_5 = arith.constant 1 : i32
    %scan3A_6 = scf.for %scan3A_33 = %scan3A_2 to %scan3A_4 step %scan3A_5 iter_args(%scan3A_34 = %scan3A) -> (i32)  : i32 {
      %jit3A = arith.constant 9 : i32
      %div3A = arith.divsi %scan3A_33, %jit3A : i32
      %sign3A = arith.constant 0 : i32
      %sign3A_35 = arith.cmpi sgt, %scan3A_33, %sign3A : i32
      %sign3A_36 = arith.extui %sign3A_35 : i1 to i32
      %sign3A_37 = arith.constant 0 : i32
      %sign3A_38 = arith.cmpi slt, %scan3A_33, %sign3A_37 : i32
      %sign3A_39 = arith.extui %sign3A_38 : i1 to i32
      %sign3A_40 = arith.subi %sign3A_36, %sign3A_39 : i32
      %sign3A_41 = arith.constant 0 : i32
      %sign3A_42 = arith.cmpi sgt, %jit3A, %sign3A_41 : i32
      %sign3A_43 = arith.extui %sign3A_42 : i1 to i32
      %sign3A_44 = arith.constant 0 : i32
      %sign3A_45 = arith.cmpi slt, %jit3A, %sign3A_44 : i32
      %sign3A_46 = arith.extui %sign3A_45 : i1 to i32
      %sign3A_47 = arith.subi %sign3A_43, %sign3A_46 : i32
      %ne3A = arith.cmpi ne, %sign3A_40, %sign3A_47 : i32
      %rem3A = arith.remsi %scan3A_33, %jit3A : i32
      %ne3A_48 = arith.constant 0 : i32
      %ne3A_49 = arith.cmpi ne, %rem3A, %ne3A_48 : i32
      %and3A = arith.andi %ne3A, %ne3A_49 : i1
      %sub3A = arith.constant 1 : i32
      %sub3A_50 = arith.subi %div3A, %sub3A : i32
      %select_n3A = arith.select %and3A, %sub3A_50, %div3A : i32
      %jit3A_51 = arith.constant 9 : i32
      %eq3A = arith.constant 0 : i32
      %eq3A_52 = arith.cmpi eq, %jit3A_51, %eq3A : i32
      %jit3A_53 = arith.constant 1 : i32
      %select_n3A_54 = arith.select %eq3A_52, %jit3A_53, %jit3A_51 : i32
      %rem3A_55 = arith.remsi %scan3A_33, %select_n3A_54 : i32
      %ne3A_56 = arith.constant 0 : i32
      %ne3A_57 = arith.cmpi ne, %rem3A_55, %ne3A_56 : i32
      %lt3A = arith.constant 0 : i32
      %lt3A_58 = arith.cmpi slt, %rem3A_55, %lt3A : i32
      %lt3A_59 = arith.constant 0 : i32
      %lt3A_60 = arith.cmpi slt, %select_n3A_54, %lt3A_59 : i32
      %ne3A_61 = arith.xori %lt3A_58, %lt3A_60 : i1
      %and3A_62 = arith.andi %ne3A_61, %ne3A_57 : i1
      %add3A_63 = arith.addi %rem3A_55, %select_n3A_54 : i32
      %select_n3A_64 = arith.select %and3A_62, %add3A_63, %rem3A_55 : i32
      %mul3A_65 = arith.constant 16 : i32
      %mul3A_66 = arith.muli %select_n3A_64, %mul3A_65 : i32
      %swap3A = arith.index_cast %select_n3A : i32 to index
      %swap3A_67 = arith.index_cast %mul3A_66 : i32 to index
      %swap3A_68 = tpu.vector_load %arg9[%swap3A, %swap3A_67] {strides = array<i32>} : memref<125x144xf32, #tpu.memory_space<vmem>>, vector<16xf32>,
      tpu.vector_store %arg9[%swap3A, %swap3A_67], %broadcast_in_dim3A_1 {strides = array<i32>} : memref<125x144xf32, #tpu.memory_space<vmem>>, vector<16xf32>,
      %scan3A_69 = arith.constant 0 : i32
      scf.yield %scan3A_69 : i32
    }
    %scan3A_7 = arith.constant 1125 : i32
    %scan3A_8 = arith.constant 0 : i32
    %scan3A_9 = arith.constant 0 : i32
    %scan3A_10 = arith.constant 5 : i32
    %scan3A_11 = arith.addi %scan3A_9, %scan3A_10 : i32
    %scan3A_12 = arith.constant 1 : i32
    %scan3A_13 = scf.for %scan3A_33 = %scan3A_9 to %scan3A_11 step %scan3A_12 iter_args(%scan3A_34 = %scan3A_8) -> (i32)  : i32 {
      %mul3A_35 = arith.constant 640 : i32
      %mul3A_36 = arith.muli %arg1, %mul3A_35 : i32
      %mul3A_37 = arith.constant 125 : i32
      %mul3A_38 = arith.muli %scan3A_33, %mul3A_37 : i32
      %add3A_39 = arith.addi %mul3A_36, %mul3A_38 : i32
      "tpu.region"() ({
        %run_scoped3A = tpu.sem_alloc : memref<!tpu.dma_semaphore, #tpu.memory_space<semaphore_mem>>
        %dma_start3A = arith.constant 0 : i32
        %dma_start3A_41 = tpu.memref_slice %arg10[%add3A_39, %dma_start3A] : memref<10240x144xf32, #tpu.memory_space<vmem_shared>> -> memref<125x144xf32, #tpu.memory_space<vmem_shared>>
        %dma_start3A_42 = arith.constant 0 : i32
        %dma_start3A_43 = tpu.memref_slice %arg10[%add3A_39, %dma_start3A_42] : memref<10240x144xf32, #tpu.memory_space<vmem_shared>> -> memref<125x144xf32, #tpu.memory_space<vmem_shared>>
        tpu.enqueue_dma source(%arg9 : memref<125x144xf32, #tpu.memory_space<vmem>>) target(%dma_start3A_43 : memref<125x144xf32, #tpu.memory_space<vmem_shared>>) target_semaphore(%run_scoped3A : memref<!tpu.dma_semaphore, #tpu.memory_space<semaphore_mem>>)
        %dma_wait3A = arith.constant 0 : i32
        %dma_wait3A_44 = tpu.memref_slice %arg10[%add3A_39, %dma_wait3A] : memref<10240x144xf32, #tpu.memory_space<vmem_shared>> -> memref<125x144xf32, #tpu.memory_space<vmem_shared>>
        %dma_wait3A_45 = arith.constant 0 : i32
        %dma_wait3A_46 = tpu.memref_slice %arg10[%add3A_39, %dma_wait3A_45] : memref<10240x144xf32, #tpu.memory_space<vmem_shared>> -> memref<125x144xf32, #tpu.memory_space<vmem_shared>>
        tpu.wait_dma2 semaphore(%run_scoped3A : memref<!tpu.dma_semaphore, #tpu.memory_space<semaphore_mem>>) src(%arg9 : memref<125x144xf32, #tpu.memory_space<vmem>>) dst(%dma_wait3A_46 : memref<125x144xf32, #tpu.memory_space<vmem_shared>>)
        tpu.yield
      }) : () -> ()
      %scan3A_40 = arith.constant 0 : i32
      scf.yield %scan3A_40 : i32
    }
    %scan3A_14 = arith.constant 5 : i32
    %mul3A_15 = arith.constant 640 : i32
    %mul3A_16 = arith.muli %arg1, %mul3A_15 : i32
    %add3A_17 = arith.constant 625 : i32
    %add3A_18 = arith.addi %mul3A_16, %add3A_17 : i32
    "tpu.region"() ({
      %run_scoped3A = tpu.sem_alloc : memref<!tpu.dma_semaphore, #tpu.memory_space<semaphore_mem>>
      %dma_start3A = arith.constant 0 : i32
      %dma_start3A_33 = arith.constant 0 : i32
      %dma_start3A_34 = tpu.memref_slice %arg9[%dma_start3A, %dma_start3A_33] : memref<125x144xf32, #tpu.memory_space<vmem>> -> memref<15x144xf32, #tpu.memory_space<vmem>>
      %dma_start3A_35 = arith.constant 0 : i32
      %dma_start3A_36 = tpu.memref_slice %arg10[%add3A_18, %dma_start3A_35] : memref<10240x144xf32, #tpu.memory_space<vmem_shared>> -> memref<15x144xf32, #tpu.memory_space<vmem_shared>>
      %dma_start3A_37 = arith.constant 0 : i32
      %dma_start3A_38 = tpu.memref_slice %arg10[%add3A_18, %dma_start3A_37] : memref<10240x144xf32, #tpu.memory_space<vmem_shared>> -> memref<15x144xf32, #tpu.memory_space<vmem_shared>>
      %dma_start3A_39 = arith.constant 0 : i32
      %dma_start3A_40 = arith.constant 0 : i32
      %dma_start3A_41 = tpu.memref_slice %arg9[%dma_start3A_39, %dma_start3A_40] : memref<125x144xf32, #tpu.memory_space<vmem>> -> memref<15x144xf32, #tpu.memory_space<vmem>>
      tpu.enqueue_dma source(%dma_start3A_41 : memref<15x144xf32, #tpu.memory_space<vmem>>) target(%dma_start3A_38 : memref<15x144xf32, #tpu.memory_space<vmem_shared>>) target_semaphore(%run_scoped3A : memref<!tpu.dma_semaphore, #tpu.memory_space<semaphore_mem>>)
      %dma_wait3A = arith.constant 0 : i32
      %dma_wait3A_42 = arith.constant 0 : i32
      %dma_wait3A_43 = tpu.memref_slice %arg9[%dma_wait3A, %dma_wait3A_42] : memref<125x144xf32, #tpu.memory_space<vmem>> -> memref<15x144xf32, #tpu.memory_space<vmem>>
      %dma_wait3A_44 = arith.constant 0 : i32
      %dma_wait3A_45 = tpu.memref_slice %arg10[%add3A_18, %dma_wait3A_44] : memref<10240x144xf32, #tpu.memory_space<vmem_shared>> -> memref<15x144xf32, #tpu.memory_space<vmem_shared>>
      %dma_wait3A_46 = arith.constant 0 : i32
      %dma_wait3A_47 = tpu.memref_slice %arg10[%add3A_18, %dma_wait3A_46] : memref<10240x144xf32, #tpu.memory_space<vmem_shared>> -> memref<15x144xf32, #tpu.memory_space<vmem_shared>>
      %dma_wait3A_48 = arith.constant 0 : i32
      %dma_wait3A_49 = arith.constant 0 : i32
      %dma_wait3A_50 = tpu.memref_slice %arg9[%dma_wait3A_48, %dma_wait3A_49] : memref<125x144xf32, #tpu.memory_space<vmem>> -> memref<15x144xf32, #tpu.memory_space<vmem>>
      tpu.wait_dma2 semaphore(%run_scoped3A : memref<!tpu.dma_semaphore, #tpu.memory_space<semaphore_mem>>) src(%dma_wait3A_50 : memref<15x144xf32, #tpu.memory_space<vmem>>) dst(%dma_wait3A_47 : memref<15x144xf32, #tpu.memory_space<vmem_shared>>)
      tpu.yield
    }) : () -> ()
    %barrier3A = arith.constant 0 : index
    tpu.barrier barrier_id(%barrier3A)
    %scan3A_19 = arith.constant 0 : i32
    %scan3A_20 = arith.constant 40 : i32
    %scan3A_21 = arith.addi %scan3A_19, %scan3A_20 : i32
    %scan3A_22 = arith.constant 1 : i32
    scf.for %scan3A_33 = %scan3A_19 to %scan3A_21 step %scan3A_22  : i32 {
      %mul3A_34 = arith.constant 1 : i32
      %mul3A_35 = arith.muli %scan3A_33, %mul3A_34 : i32
      %add3A_36 = arith.constant 0 : i32
      %add3A_37 = arith.addi %add3A_36, %mul3A_35 : i32
      %dma_start3A = arith.constant 0 : i32
      %dma_start3A_38 = tpu.memref_slice %arg7[%add3A_37, %dma_start3A] : memref<40x125xi32, #tpu.memory_space<vmem>> -> memref<1x125xi32, #tpu.memory_space<vmem>>
      %dma_start3A_39 = tpu.memref_squeeze %dma_start3A_38 : memref<1x125xi32, #tpu.memory_space<vmem>> -> memref<125xi32, #tpu.memory_space<vmem>>
      %dma_start3A_40 = arith.constant 0 : i32
      %dma_start3A_41 = arith.constant 0 : i32
      %dma_start3A_42 = tpu.memref_slice %arg2[%dma_start3A_40, %dma_start3A_41] : memref<10240x144xf32, #tpu.memory_space<hbm>> -> memref<10240x144xf32, #tpu.memory_space<hbm>>
      tpu.enqueue_indirect_dma source(%dma_start3A_42 : memref<10240x144xf32, #tpu.memory_space<hbm>>) target(%arg9 : memref<125x144xf32, #tpu.memory_space<vmem>>) offsets(%dma_start3A_39 : memref<125xi32, #tpu.memory_space<vmem>>) semaphore(%arg11 : memref<!tpu.dma_semaphore, #tpu.memory_space<semaphore_mem>>)
      %dma_wait3A = arith.constant 0 : i32
      %dma_wait3A_43 = tpu.memref_slice %arg7[%add3A_37, %dma_wait3A] : memref<40x125xi32, #tpu.memory_space<vmem>> -> memref<1x125xi32, #tpu.memory_space<vmem>>
      %dma_wait3A_44 = tpu.memref_squeeze %dma_wait3A_43 : memref<1x125xi32, #tpu.memory_space<vmem>> -> memref<125xi32, #tpu.memory_space<vmem>>
      %dma_wait3A_45 = arith.constant 0 : i32
      %dma_wait3A_46 = arith.constant 0 : i32
      %dma_wait3A_47 = tpu.memref_slice %arg2[%dma_wait3A_45, %dma_wait3A_46] : memref<10240x144xf32, #tpu.memory_space<hbm>> -> memref<10240x144xf32, #tpu.memory_space<hbm>>
      tpu.wait_indirect_dma semaphore(%arg11 : memref<!tpu.dma_semaphore, #tpu.memory_space<semaphore_mem>>) src(%dma_wait3A_47 : memref<10240x144xf32, #tpu.memory_space<hbm>>) dst(%arg9 : memref<125x144xf32, #tpu.memory_space<vmem>>)
      "tpu.region"() ({
        %run_scoped3A = tpu.sem_alloc : memref<!tpu.dma_semaphore, #tpu.memory_space<semaphore_mem>>
        %dma_start3A_48 = arith.constant 0 : i32
        %dma_start3A_49 = tpu.memref_slice %arg8[%add3A_37, %dma_start3A_48] : memref<40x125xi32, #tpu.memory_space<vmem>> -> memref<1x125xi32, #tpu.memory_space<vmem>>
        %dma_start3A_50 = tpu.memref_squeeze %dma_start3A_49 : memref<1x125xi32, #tpu.memory_space<vmem>> -> memref<125xi32, #tpu.memory_space<vmem>>
        %dma_start3A_51 = arith.constant 0 : i32
        %dma_start3A_52 = arith.constant 0 : i32
        %dma_start3A_53 = tpu.memref_slice %arg10[%dma_start3A_51, %dma_start3A_52] : memref<10240x144xf32, #tpu.memory_space<vmem_shared>> -> memref<10240x144xf32, #tpu.memory_space<vmem_shared>>
        tpu.enqueue_indirect_dma source(%arg9 : memref<125x144xf32, #tpu.memory_space<vmem>>) target(%dma_start3A_53 : memref<10240x144xf32, #tpu.memory_space<vmem_shared>>) offsets(%dma_start3A_50 : memref<125xi32, #tpu.memory_space<vmem>>) semaphore(%run_scoped3A : memref<!tpu.dma_semaphore, #tpu.memory_space<semaphore_mem>>) {add = true}
        %dma_wait3A_54 = arith.constant 0 : i32
        %dma_wait3A_55 = tpu.memref_slice %arg8[%add3A_37, %dma_wait3A_54] : memref<40x125xi32, #tpu.memory_space<vmem>> -> memref<1x125xi32, #tpu.memory_space<vmem>>
        %dma_wait3A_56 = tpu.memref_squeeze %dma_wait3A_55 : memref<1x125xi32, #tpu.memory_space<vmem>> -> memref<125xi32, #tpu.memory_space<vmem>>
        %dma_wait3A_57 = arith.constant 0 : i32
        %dma_wait3A_58 = arith.constant 0 : i32
        %dma_wait3A_59 = tpu.memref_slice %arg10[%dma_wait3A_57, %dma_wait3A_58] : memref<10240x144xf32, #tpu.memory_space<vmem_shared>> -> memref<10240x144xf32, #tpu.memory_space<vmem_shared>>
        tpu.wait_indirect_dma semaphore(%run_scoped3A : memref<!tpu.dma_semaphore, #tpu.memory_space<semaphore_mem>>) src(%arg9 : memref<125x144xf32, #tpu.memory_space<vmem>>) dst(%dma_wait3A_59 : memref<10240x144xf32, #tpu.memory_space<vmem_shared>>)
        tpu.yield
      }) : () -> ()
    }
    %scan3A_23 = arith.constant 40 : i32
    %barrier3A_24 = arith.constant 0 : index
    tpu.barrier barrier_id(%barrier3A_24)
    %mul3A_25 = arith.constant 640 : i32
    %mul3A_26 = arith.muli %arg1, %mul3A_25 : i32
    %mul3A_27 = arith.constant 640 : i32
    %mul3A_28 = arith.muli %arg1, %mul3A_27 : i32
    "tpu.region"() ({
      %run_scoped3A = tpu.sem_alloc : memref<!tpu.dma_semaphore, #tpu.memory_space<semaphore_mem>>
      %dma_start3A = arith.constant 0 : i32
      %dma_start3A_33 = tpu.memref_slice %arg5[%arg0, %mul3A_28, %dma_start3A] : memref<2x10240x128xf32, #tpu.memory_space<hbm>> -> memref<1x640x128xf32, #tpu.memory_space<hbm>>
      %dma_start3A_34 = tpu.memref_squeeze %dma_start3A_33 : memref<1x640x128xf32, #tpu.memory_space<hbm>> -> memref<640x128xf32, #tpu.memory_space<hbm>>
      %dma_start3A_35 = arith.constant 0 : i32
      %dma_start3A_36 = tpu.memref_slice %arg10[%mul3A_26, %dma_start3A_35] : memref<10240x144xf32, #tpu.memory_space<vmem_shared>> -> memref<640x128xf32, #tpu.memory_space<vmem_shared>>
      tpu.enqueue_dma source(%dma_start3A_36 : memref<640x128xf32, #tpu.memory_space<vmem_shared>>) target(%dma_start3A_34 : memref<640x128xf32, #tpu.memory_space<hbm>>) target_semaphore(%run_scoped3A : memref<!tpu.dma_semaphore, #tpu.memory_space<semaphore_mem>>)
      %dma_wait3A = arith.constant 0 : i32
      %dma_wait3A_37 = tpu.memref_slice %arg5[%arg0, %mul3A_28, %dma_wait3A] : memref<2x10240x128xf32, #tpu.memory_space<hbm>> -> memref<1x640x128xf32, #tpu.memory_space<hbm>>
      %dma_wait3A_38 = tpu.memref_squeeze %dma_wait3A_37 : memref<1x640x128xf32, #tpu.memory_space<hbm>> -> memref<640x128xf32, #tpu.memory_space<hbm>>
      %dma_wait3A_39 = arith.constant 0 : i32
      %dma_wait3A_40 = tpu.memref_slice %arg10[%mul3A_26, %dma_wait3A_39] : memref<10240x144xf32, #tpu.memory_space<vmem_shared>> -> memref<640x128xf32, #tpu.memory_space<vmem_shared>>
      tpu.wait_dma2 semaphore(%run_scoped3A : memref<!tpu.dma_semaphore, #tpu.memory_space<semaphore_mem>>) src(%dma_wait3A_40 : memref<640x128xf32, #tpu.memory_space<vmem_shared>>) dst(%dma_wait3A_38 : memref<640x128xf32, #tpu.memory_space<hbm>>)
      tpu.yield
    }) : () -> ()
    %mul3A_29 = arith.constant 640 : i32
    %mul3A_30 = arith.muli %arg1, %mul3A_29 : i32
    %mul3A_31 = arith.constant 640 : i32
    %mul3A_32 = arith.muli %arg1, %mul3A_31 : i32
    "tpu.region"() ({
      %run_scoped3A = tpu.sem_alloc : memref<!tpu.dma_semaphore, #tpu.memory_space<semaphore_mem>>
      %dma_start3A = arith.constant 0 : i32
      %dma_start3A_33 = tpu.memref_slice %arg6[%arg0, %mul3A_32, %dma_start3A] : memref<2x10240x16xf32, #tpu.memory_space<hbm>> -> memref<1x640x16xf32, #tpu.memory_space<hbm>>
      %dma_start3A_34 = tpu.memref_squeeze %dma_start3A_33 : memref<1x640x16xf32, #tpu.memory_space<hbm>> -> memref<640x16xf32, #tpu.memory_space<hbm>>
      %dma_start3A_35 = arith.constant 128 : i32
      %dma_start3A_36 = tpu.memref_slice %arg10[%mul3A_30, %dma_start3A_35] : memref<10240x144xf32, #tpu.memory_space<vmem_shared>> -> memref<640x16xf32, #tpu.memory_space<vmem_shared>>
      tpu.enqueue_dma source(%dma_start3A_36 : memref<640x16xf32, #tpu.memory_space<vmem_shared>>) target(%dma_start3A_34 : memref<640x16xf32, #tpu.memory_space<hbm>>) target_semaphore(%run_scoped3A : memref<!tpu.dma_semaphore, #tpu.memory_space<semaphore_mem>>)
      %dma_wait3A = arith.constant 0 : i32
      %dma_wait3A_37 = tpu.memref_slice %arg6[%arg0, %mul3A_32, %dma_wait3A] : memref<2x10240x16xf32, #tpu.memory_space<hbm>> -> memref<1x640x16xf32, #tpu.memory_space<hbm>>
      %dma_wait3A_38 = tpu.memref_squeeze %dma_wait3A_37 : memref<1x640x16xf32, #tpu.memory_space<hbm>> -> memref<640x16xf32, #tpu.memory_space<hbm>>
      %dma_wait3A_39 = arith.constant 128 : i32
      %dma_wait3A_40 = tpu.memref_slice %arg10[%mul3A_30, %dma_wait3A_39] : memref<10240x144xf32, #tpu.memory_space<vmem_shared>> -> memref<640x16xf32, #tpu.memory_space<vmem_shared>>
      tpu.wait_dma2 semaphore(%run_scoped3A : memref<!tpu.dma_semaphore, #tpu.memory_space<semaphore_mem>>) src(%dma_wait3A_40 : memref<640x16xf32, #tpu.memory_space<vmem_shared>>) dst(%dma_wait3A_38 : memref<640x16xf32, #tpu.memory_space<hbm>>)
      tpu.yield
    }) : () -> ()
    return
  }
}

module attributes {stable_mosaic.version = 14 : i64} {
  func.func @_tc1_body(%arg0: i32, %arg1: memref<2x1024x128xf32, #tpu.memory_space<vmem>>, %arg2: memref<2x1024x16xf32, #tpu.memory_space<vmem>>, %arg3: memref<1024x144xf32, #tpu.memory_space<vmem>>, %arg4: memref<128x256xf32, #tpu.memory_space<vmem>>, %arg5: memref<128x256xf32, #tpu.memory_space<vmem>>, %arg6: memref<1x256xf32, #tpu.memory_space<vmem>>, %arg7: memref<1024x256xf32, #tpu.memory_space<vmem>>, %arg8: memref<1024x1xf32, #tpu.memory_space<vmem>>) attributes {dimension_semantics = [#tpu.dimension_semantics<arbitrary>], iteration_bounds = array<i64: 10>, scalar_prefetch = 0 : i64, scratch_operands = 0 : i64, tpu.core_type = #tpu.core_type<tc>, window_params = [{transform_indices = @transform_0, window_bounds = array<i64: 2, 1024, 128>}, {transform_indices = @transform_1, window_bounds = array<i64: 2, 1024, 16>}, {transform_indices = @transform_2, window_bounds = array<i64: 1024, 144>}, {pipeline_mode = #tpu.pipeline_mode<synchronous>, transform_indices = @transform_3, window_bounds = array<i64: 128, 256>}, {pipeline_mode = #tpu.pipeline_mode<synchronous>, transform_indices = @transform_4, window_bounds = array<i64: 128, 256>}, {pipeline_mode = #tpu.pipeline_mode<synchronous>, transform_indices = @transform_5, window_bounds = array<i64: 1, 256>}, {transform_indices = @transform_6, window_bounds = array<i64: 1024, 256>}, {transform_indices = @transform_7, window_bounds = array<i64: 1024, 1>}]} {
    %get3A = arith.constant 0 : index
    %get3A_0 = arith.constant 0 : index
    %get3A_1 = arith.constant 0 : index
    %get3A_2 = vector.load %arg1[%get3A, %get3A_0, %get3A_1] : memref<2x1024x128xf32, #tpu.memory_space<vmem>>, vector<1x1024x128xf32>
    %get3A_3 = vector.shape_cast %get3A_2 : vector<1x1024x128xf32> to vector<1024x128xf32>
    %get3A_4 = arith.constant 1 : index
    %get3A_5 = arith.constant 0 : index
    %get3A_6 = arith.constant 0 : index
    %get3A_7 = vector.load %arg1[%get3A_4, %get3A_5, %get3A_6] : memref<2x1024x128xf32, #tpu.memory_space<vmem>>, vector<1x1024x128xf32>
    %get3A_8 = vector.shape_cast %get3A_7 : vector<1x1024x128xf32> to vector<1024x128xf32>
    %add3A = arith.addf %get3A_3, %get3A_8 : vector<1024x128xf32>
    %get3A_9 = arith.constant 0 : index
    %get3A_10 = arith.constant 0 : index
    %get3A_11 = arith.constant 0 : index
    %get3A_12 = vector.load %arg2[%get3A_9, %get3A_10, %get3A_11] : memref<2x1024x16xf32, #tpu.memory_space<vmem>>, vector<1x1024x16xf32>
    %get3A_13 = vector.shape_cast %get3A_12 : vector<1x1024x16xf32> to vector<1024x16xf32>
    %slice3A = vector.extract_strided_slice %get3A_13 {offsets = [0, 0], sizes = [1024, 1], strides = [1, 1]} : vector<1024x16xf32> to vector<1024x1xf32>
    %get3A_14 = arith.constant 1 : index
    %get3A_15 = arith.constant 0 : index
    %get3A_16 = arith.constant 0 : index
    %get3A_17 = vector.load %arg2[%get3A_14, %get3A_15, %get3A_16] : memref<2x1024x16xf32, #tpu.memory_space<vmem>>, vector<1x1024x16xf32>
    %get3A_18 = vector.shape_cast %get3A_17 : vector<1x1024x16xf32> to vector<1024x16xf32>
    %slice3A_19 = vector.extract_strided_slice %get3A_18 {offsets = [0, 0], sizes = [1024, 1], strides = [1, 1]} : vector<1024x16xf32> to vector<1024x1xf32>
    %add3A_20 = arith.addf %slice3A, %slice3A_19 : vector<1024x1xf32>
    %mul3A = arith.constant 1024 : i32
    %mul3A_21 = arith.muli %arg0, %mul3A : i32
    %iota3A = tpu.iota {dimensions = array<i32: 0>} : vector<1024x1xi32>
    %add3A_22 = vector.broadcast %mul3A_21 : i32 to vector<1024x1xi32>
    %add3A_23 = arith.addi %add3A_22, %iota3A : vector<1024x1xi32>
    %lt3A = arith.constant 10000 : i32
    %lt3A_24 = vector.broadcast %lt3A : i32 to vector<1024x1xi32>
    %lt3A_25 = arith.cmpi slt, %add3A_23, %lt3A_24 : vector<1024x1xi32>
    %max3A = arith.constant 1.000000e+00 : f32
    %max3A_26 = vector.broadcast %max3A : f32 to vector<1024x1xf32>
    %max3A_27 = arith.maximumf %add3A_20, %max3A_26 : vector<1024x1xf32>
    %div3A = arith.constant 1.000000e+00 : f32
    %div3A_28 = vector.broadcast %div3A : f32 to vector<1024x1xf32>
    %div3A_29 = arith.divf %div3A_28, %max3A_27 : vector<1024x1xf32>
    %jit3A = arith.constant 0.000000e+00 : f32
    %broadcast_in_dim3A = vector.broadcast %jit3A : f32 to vector<1024x1xf32>
    %select_n3A = arith.select %lt3A_25, %div3A_29, %broadcast_in_dim3A : vector<1024x1xi1>, vector<1024x1xf32>
    %mul3A_30 = vector.broadcast %select_n3A : vector<1024x1xf32> to vector<1024x128xf32>
    %mul3A_31 = arith.mulf %add3A, %mul3A_30 : vector<1024x128xf32>
    %get3A_32 = arith.constant 0 : index
    %get3A_33 = arith.constant 0 : index
    %get3A_34 = vector.load %arg4[%get3A_32, %get3A_33] : memref<128x256xf32, #tpu.memory_space<vmem>>, vector<128x256xf32>
    %dot_general3A = arith.constant dense<0.000000e+00> : vector<1024x256xf32>
    %dot_general3A_35 = tpu.matmul %mul3A_31, %get3A_34, %dot_general3A {dimension_numbers = #tpu.dot_dimension_numbers<[1], [0], [0], [1], [0, 0, 1, 1], [], []>, transpose_lhs_hint = false} : vector<1024x128xf32>, vector<128x256xf32>, vector<1024x256xf32> -> vector<1024x256xf32>
    %get3A_36 = arith.constant 0 : index
    %get3A_37 = arith.constant 0 : index
    %get3A_38 = vector.load %arg3[%get3A_36, %get3A_37] : memref<1024x144xf32, #tpu.memory_space<vmem>>, vector<1024x144xf32>
    %slice3A_39 = vector.extract_strided_slice %get3A_38 {offsets = [0, 0], sizes = [1024, 128], strides = [1, 1]} : vector<1024x144xf32> to vector<1024x128xf32>
    %get3A_40 = arith.constant 0 : index
    %get3A_41 = arith.constant 0 : index
    %get3A_42 = vector.load %arg5[%get3A_40, %get3A_41] : memref<128x256xf32, #tpu.memory_space<vmem>>, vector<128x256xf32>
    %dot_general3A_43 = arith.constant dense<0.000000e+00> : vector<1024x256xf32>
    %dot_general3A_44 = tpu.matmul %slice3A_39, %get3A_42, %dot_general3A_43 {dimension_numbers = #tpu.dot_dimension_numbers<[1], [0], [0], [1], [0, 0, 1, 1], [], []>, transpose_lhs_hint = false} : vector<1024x128xf32>, vector<128x256xf32>, vector<1024x256xf32> -> vector<1024x256xf32>
    %add3A_45 = arith.addf %dot_general3A_35, %dot_general3A_44 : vector<1024x256xf32>
    %get3A_46 = arith.constant 0 : index
    %get3A_47 = arith.constant 0 : index
    %get3A_48 = vector.load %arg6[%get3A_46, %get3A_47] : memref<1x256xf32, #tpu.memory_space<vmem>>, vector<1x256xf32>
    %add3A_49 = vector.broadcast %get3A_48 : vector<1x256xf32> to vector<1024x256xf32>
    %add3A_50 = arith.addf %add3A_45, %add3A_49 : vector<1024x256xf32>
    %max3A_51 = arith.constant 0.000000e+00 : f32
    %max3A_52 = vector.broadcast %max3A_51 : f32 to vector<1024x256xf32>
    %max3A_53 = arith.maximumf %add3A_50, %max3A_52 : vector<1024x256xf32>
    %swap3A = arith.constant 0 : index
    %swap3A_54 = arith.constant 0 : index
    %swap3A_55 = vector.load %arg7[%swap3A, %swap3A_54] : memref<1024x256xf32, #tpu.memory_space<vmem>>, vector<1024x256xf32>
    tpu.vector_store %arg7[%swap3A, %swap3A_54], %max3A_53 {strides = array<i32>} : memref<1024x256xf32, #tpu.memory_space<vmem>>, vector<1024x256xf32>,
    %swap3A_56 = arith.constant 0 : index
    %swap3A_57 = arith.constant 0 : index
    %swap3A_58 = vector.load %arg8[%swap3A_56, %swap3A_57] : memref<1024x1xf32, #tpu.memory_space<vmem>>, vector<1024x1xf32>
    tpu.vector_store %arg8[%swap3A_56, %swap3A_57], %select_n3A {strides = array<i32>} : memref<1024x1xf32, #tpu.memory_space<vmem>>, vector<1024x1xf32>,
    return
  }
  func.func @transform_0(%arg0: i32) -> (i32, i32, i32) {
    %c0_i32 = arith.constant 0 : i32
    %c0_i32_0 = arith.constant 0 : i32
    %c0_i32_1 = arith.constant 0 : i32
    return %c0_i32, %arg0, %c0_i32_0 : i32, i32, i32
  }
  func.func @transform_1(%arg0: i32) -> (i32, i32, i32) {
    %c0_i32 = arith.constant 0 : i32
    %c0_i32_0 = arith.constant 0 : i32
    %c0_i32_1 = arith.constant 0 : i32
    return %c0_i32, %arg0, %c0_i32_0 : i32, i32, i32
  }
  func.func @transform_2(%arg0: i32) -> (i32, i32) {
    %c0_i32 = arith.constant 0 : i32
    %c0_i32_0 = arith.constant 0 : i32
    return %arg0, %c0_i32 : i32, i32
  }
  func.func @transform_3(%arg0: i32) -> (i32, i32) {
    %c0_i32 = arith.constant 0 : i32
    %c0_i32_0 = arith.constant 0 : i32
    %c0_i32_1 = arith.constant 0 : i32
    return %c0_i32, %c0_i32_0 : i32, i32
  }
  func.func @transform_4(%arg0: i32) -> (i32, i32) {
    %c0_i32 = arith.constant 0 : i32
    %c0_i32_0 = arith.constant 0 : i32
    %c0_i32_1 = arith.constant 0 : i32
    return %c0_i32, %c0_i32_0 : i32, i32
  }
  func.func @transform_5(%arg0: i32) -> (i32, i32) {
    %c0_i32 = arith.constant 0 : i32
    %c0_i32_0 = arith.constant 0 : i32
    %c0_i32_1 = arith.constant 0 : i32
    return %c0_i32, %c0_i32_0 : i32, i32
  }
  func.func @transform_6(%arg0: i32) -> (i32, i32) {
    %c0_i32 = arith.constant 0 : i32
    %c0_i32_0 = arith.constant 0 : i32
    return %arg0, %c0_i32 : i32, i32
  }
  func.func @transform_7(%arg0: i32) -> (i32, i32) {
    %c0_i32 = arith.constant 0 : i32
    %c0_i32_0 = arith.constant 0 : i32
    return %arg0, %c0_i32 : i32, i32
  }
}

module attributes {stable_mosaic.version = 14 : i64} {
  func.func @_tc2_body(%arg0: i32, %arg1: memref<1024x256xf32, #tpu.memory_space<vmem>>, %arg2: memref<1x1x1024xi32, #tpu.memory_space<vmem>>, %arg3: memref<2x64x1024xf32, #tpu.memory_space<vmem>>, %arg4: memref<256x256xf32, #tpu.memory_space<vmem>>, %arg5: memref<256x256xf32, #tpu.memory_space<vmem>>, %arg6: memref<1x256xf32, #tpu.memory_space<vmem>>, %arg7: memref<64x256xf32, #tpu.memory_space<vmem>>, %arg8: memref<64x256xf32, #tpu.memory_space<vmem>>, %arg9: memref<64x256xf32, #tpu.memory_space<vmem>>, %arg10: memref<64x128xf32, #tpu.memory_space<vmem>>) attributes {dimension_semantics = [#tpu.dimension_semantics<arbitrary>], iteration_bounds = array<i64: 10>, scalar_prefetch = 0 : i64, scratch_operands = 3 : i64, tpu.core_type = #tpu.core_type<tc>, window_params = [{transform_indices = @transform_0, window_bounds = array<i64: 1024, 256>}, {transform_indices = @transform_1, window_bounds = array<i64: 1, 1, 1024>}, {transform_indices = @transform_2, window_bounds = array<i64: 2, 64, 1024>}, {pipeline_mode = #tpu.pipeline_mode<synchronous>, transform_indices = @transform_3, window_bounds = array<i64: 256, 256>}, {pipeline_mode = #tpu.pipeline_mode<synchronous>, transform_indices = @transform_4, window_bounds = array<i64: 256, 256>}, {pipeline_mode = #tpu.pipeline_mode<synchronous>, transform_indices = @transform_5, window_bounds = array<i64: 1, 256>}, {pipeline_mode = #tpu.pipeline_mode<synchronous>, transform_indices = @transform_6, window_bounds = array<i64: 64, 256>}]} {
    %eq3A = arith.constant 0 : i32
    %eq3A_0 = arith.cmpi eq, %arg0, %eq3A : i32
    %convert_element_type3A = arith.extui %eq3A_0 : i1 to i32
    %cond3A = arith.constant 0 : i32
    %cond3A_1 = arith.cmpi ne, %convert_element_type3A, %cond3A : i32
    scf.if %cond3A_1 {
      %broadcast_in_dim3A_52 = arith.constant 0.000000e+00 : f32
      %broadcast_in_dim3A_53 = vector.broadcast %broadcast_in_dim3A_52 : f32 to vector<64x256xf32>
      %swap3A_54 = arith.constant 0 : index
      %swap3A_55 = arith.constant 0 : index
      %swap3A_56 = vector.load %arg8[%swap3A_54, %swap3A_55] : memref<64x256xf32, #tpu.memory_space<vmem>>, vector<64x256xf32>
      tpu.vector_store %arg8[%swap3A_54, %swap3A_55], %broadcast_in_dim3A_53 {strides = array<i32>} : memref<64x256xf32, #tpu.memory_space<vmem>>, vector<64x256xf32>,
      %broadcast_in_dim3A_57 = arith.constant 0.000000e+00 : f32
      %broadcast_in_dim3A_58 = vector.broadcast %broadcast_in_dim3A_57 : f32 to vector<64x256xf32>
      %swap3A_59 = arith.constant 0 : index
      %swap3A_60 = arith.constant 0 : index
      %swap3A_61 = vector.load %arg9[%swap3A_59, %swap3A_60] : memref<64x256xf32, #tpu.memory_space<vmem>>, vector<64x256xf32>
      tpu.vector_store %arg9[%swap3A_59, %swap3A_60], %broadcast_in_dim3A_58 {strides = array<i32>} : memref<64x256xf32, #tpu.memory_space<vmem>>, vector<64x256xf32>,
      %broadcast_in_dim3A_62 = arith.constant 0.000000e+00 : f32
      %broadcast_in_dim3A_63 = vector.broadcast %broadcast_in_dim3A_62 : f32 to vector<64x128xf32>
      %swap3A_64 = arith.constant 0 : index
      %swap3A_65 = arith.constant 0 : index
      %swap3A_66 = vector.load %arg10[%swap3A_64, %swap3A_65] : memref<64x128xf32, #tpu.memory_space<vmem>>, vector<64x128xf32>
      tpu.vector_store %arg10[%swap3A_64, %swap3A_65], %broadcast_in_dim3A_63 {strides = array<i32>} : memref<64x128xf32, #tpu.memory_space<vmem>>, vector<64x128xf32>,
    } else {
    }
    %get3A = arith.constant 0 : index
    %get3A_2 = arith.constant 0 : index
    %get3A_3 = vector.load %arg1[%get3A, %get3A_2] : memref<1024x256xf32, #tpu.memory_space<vmem>>, vector<1024x256xf32>
    %get3A_4 = arith.constant 0 : index
    %get3A_5 = arith.constant 0 : index
    %get3A_6 = arith.constant 0 : index
    %get3A_7 = vector.load %arg3[%get3A_4, %get3A_5, %get3A_6] : memref<2x64x1024xf32, #tpu.memory_space<vmem>>, vector<1x64x1024xf32>
    %get3A_8 = vector.shape_cast %get3A_7 : vector<1x64x1024xf32> to vector<64x1024xf32>
    %get3A_9 = arith.constant 1 : index
    %get3A_10 = arith.constant 0 : index
    %get3A_11 = arith.constant 0 : index
    %get3A_12 = vector.load %arg3[%get3A_9, %get3A_10, %get3A_11] : memref<2x64x1024xf32, #tpu.memory_space<vmem>>, vector<1x64x1024xf32>
    %get3A_13 = vector.shape_cast %get3A_12 : vector<1x64x1024xf32> to vector<64x1024xf32>
    %add3A = arith.addf %get3A_8, %get3A_13 : vector<64x1024xf32>
    %get3A_14 = arith.constant 0 : index
    %get3A_15 = arith.constant 0 : index
    %get3A_16 = vector.load %arg8[%get3A_14, %get3A_15] : memref<64x256xf32, #tpu.memory_space<vmem>>, vector<64x256xf32>
    %dot_general3A = arith.constant dense<0.000000e+00> : vector<64x256xf32>
    %dot_general3A_17 = tpu.matmul %add3A, %get3A_3, %dot_general3A {dimension_numbers = #tpu.dot_dimension_numbers<[1], [0], [0], [1], [0, 0, 1, 1], [], []>, transpose_lhs_hint = false} : vector<64x1024xf32>, vector<1024x256xf32>, vector<64x256xf32> -> vector<64x256xf32>
    %add3A_18 = arith.addf %get3A_16, %dot_general3A_17 : vector<64x256xf32>
    %swap3A = arith.constant 0 : index
    %swap3A_19 = arith.constant 0 : index
    %swap3A_20 = vector.load %arg8[%swap3A, %swap3A_19] : memref<64x256xf32, #tpu.memory_space<vmem>>, vector<64x256xf32>
    tpu.vector_store %arg8[%swap3A, %swap3A_19], %add3A_18 {strides = array<i32>} : memref<64x256xf32, #tpu.memory_space<vmem>>, vector<64x256xf32>,
    %iota3A = tpu.iota {dimensions = array<i32: 0>} : vector<64x1024xi32>
    %get3A_21 = arith.constant 0 : index
    %get3A_22 = arith.constant 0 : index
    %get3A_23 = arith.constant 0 : index
    %get3A_24 = vector.load %arg2[%get3A_21, %get3A_22, %get3A_23] : memref<1x1x1024xi32, #tpu.memory_space<vmem>>, vector<1x1x1024xi32>
    %get3A_25 = vector.shape_cast %get3A_24 : vector<1x1x1024xi32> to vector<1x1024xi32>
    %eq3A_26 = vector.broadcast %get3A_25 : vector<1x1024xi32> to vector<64x1024xi32>
    %eq3A_27 = arith.cmpi eq, %iota3A, %eq3A_26 : vector<64x1024xi32>
    %convert_element_type3A_28 = arith.extui %eq3A_27 : vector<64x1024xi1> to vector<64x1024xi32>
    %convert_element_type3A_29 = arith.sitofp %convert_element_type3A_28 : vector<64x1024xi32> to vector<64x1024xf32>
    %get3A_30 = arith.constant 0 : index
    %get3A_31 = arith.constant 0 : index
    %get3A_32 = vector.load %arg9[%get3A_30, %get3A_31] : memref<64x256xf32, #tpu.memory_space<vmem>>, vector<64x256xf32>
    %dot_general3A_33 = arith.constant dense<0.000000e+00> : vector<64x256xf32>
    %dot_general3A_34 = tpu.matmul %convert_element_type3A_29, %get3A_3, %dot_general3A_33 {dimension_numbers = #tpu.dot_dimension_numbers<[1], [0], [0], [1], [0, 0, 1, 1], [], []>, transpose_lhs_hint = false} : vector<64x1024xf32>, vector<1024x256xf32>, vector<64x256xf32> -> vector<64x256xf32>
    %add3A_35 = arith.addf %get3A_32, %dot_general3A_34 : vector<64x256xf32>
    %swap3A_36 = arith.constant 0 : index
    %swap3A_37 = arith.constant 0 : index
    %swap3A_38 = vector.load %arg9[%swap3A_36, %swap3A_37] : memref<64x256xf32, #tpu.memory_space<vmem>>, vector<64x256xf32>
    tpu.vector_store %arg9[%swap3A_36, %swap3A_37], %add3A_35 {strides = array<i32>} : memref<64x256xf32, #tpu.memory_space<vmem>>, vector<64x256xf32>,
    %get3A_39 = arith.constant 0 : index
    %get3A_40 = arith.constant 0 : index
    %get3A_41 = vector.load %arg10[%get3A_39, %get3A_40] : memref<64x128xf32, #tpu.memory_space<vmem>>, vector<64x1xf32>
    %reduce_sum3A = arith.constant dense<0.000000e+00> : vector<64xf32>
    %reduce_sum3A_42 = vector.multi_reduction <add>, %convert_element_type3A_29, %reduce_sum3A [1] : vector<64x1024xf32> to vector<64xf32>
    %broadcast_in_dim3A = vector.shape_cast %reduce_sum3A_42 : vector<64xf32> to vector<64x1xf32>
    %add3A_43 = arith.addf %get3A_41, %broadcast_in_dim3A : vector<64x1xf32>
    %swap3A_44 = arith.constant 0 : index
    %swap3A_45 = arith.constant 0 : index
    %swap3A_46 = vector.load %arg10[%swap3A_44, %swap3A_45] : memref<64x128xf32, #tpu.memory_space<vmem>>, vector<64x1xf32>
    tpu.vector_store %arg10[%swap3A_44, %swap3A_45], %add3A_43 {strides = array<i32>} : memref<64x128xf32, #tpu.memory_space<vmem>>, vector<64x1xf32>,
    %eq3A_47 = arith.constant 9 : i32
    %eq3A_48 = arith.cmpi eq, %arg0, %eq3A_47 : i32
    %convert_element_type3A_49 = arith.extui %eq3A_48 : i1 to i32
    %cond3A_50 = arith.constant 0 : i32
    %cond3A_51 = arith.cmpi ne, %convert_element_type3A_49, %cond3A_50 : i32
    scf.if %cond3A_51 {
      %get3A_52 = arith.constant 0 : index
      %get3A_53 = arith.constant 0 : index
      %get3A_54 = vector.load %arg8[%get3A_52, %get3A_53] : memref<64x256xf32, #tpu.memory_space<vmem>>, vector<64x256xf32>
      %get3A_55 = arith.constant 0 : index
      %get3A_56 = arith.constant 0 : index
      %get3A_57 = vector.load %arg4[%get3A_55, %get3A_56] : memref<256x256xf32, #tpu.memory_space<vmem>>, vector<256x256xf32>
      %dot_general3A_58 = arith.constant dense<0.000000e+00> : vector<64x256xf32>
      %dot_general3A_59 = tpu.matmul %get3A_54, %get3A_57, %dot_general3A_58 {dimension_numbers = #tpu.dot_dimension_numbers<[1], [0], [0], [1], [0, 0, 1, 1], [], []>, transpose_lhs_hint = false} : vector<64x256xf32>, vector<256x256xf32>, vector<64x256xf32> -> vector<64x256xf32>
      %get3A_60 = arith.constant 0 : index
      %get3A_61 = arith.constant 0 : index
      %get3A_62 = vector.load %arg9[%get3A_60, %get3A_61] : memref<64x256xf32, #tpu.memory_space<vmem>>, vector<64x256xf32>
      %get3A_63 = arith.constant 0 : index
      %get3A_64 = arith.constant 0 : index
      %get3A_65 = vector.load %arg5[%get3A_63, %get3A_64] : memref<256x256xf32, #tpu.memory_space<vmem>>, vector<256x256xf32>
      %dot_general3A_66 = arith.constant dense<0.000000e+00> : vector<64x256xf32>
      %dot_general3A_67 = tpu.matmul %get3A_62, %get3A_65, %dot_general3A_66 {dimension_numbers = #tpu.dot_dimension_numbers<[1], [0], [0], [1], [0, 0, 1, 1], [], []>, transpose_lhs_hint = false} : vector<64x256xf32>, vector<256x256xf32>, vector<64x256xf32> -> vector<64x256xf32>
      %add3A_68 = arith.addf %dot_general3A_59, %dot_general3A_67 : vector<64x256xf32>
      %get3A_69 = arith.constant 0 : index
      %get3A_70 = arith.constant 0 : index
      %get3A_71 = vector.load %arg10[%get3A_69, %get3A_70] : memref<64x128xf32, #tpu.memory_space<vmem>>, vector<64x1xf32>
      %max3A = arith.constant 1.000000e+00 : f32
      %max3A_72 = vector.broadcast %max3A : f32 to vector<64x1xf32>
      %max3A_73 = arith.maximumf %get3A_71, %max3A_72 : vector<64x1xf32>
      %div3A = vector.broadcast %max3A_73 : vector<64x1xf32> to vector<64x256xf32>
      %div3A_74 = arith.divf %add3A_68, %div3A : vector<64x256xf32>
      %get3A_75 = arith.constant 0 : index
      %get3A_76 = arith.constant 0 : index
      %get3A_77 = vector.load %arg6[%get3A_75, %get3A_76] : memref<1x256xf32, #tpu.memory_space<vmem>>, vector<1x256xf32>
      %add3A_78 = vector.broadcast %get3A_77 : vector<1x256xf32> to vector<64x256xf32>
      %add3A_79 = arith.addf %div3A_74, %add3A_78 : vector<64x256xf32>
      %swap3A_80 = arith.constant 0 : index
      %swap3A_81 = arith.constant 0 : index
      %swap3A_82 = vector.load %arg7[%swap3A_80, %swap3A_81] : memref<64x256xf32, #tpu.memory_space<vmem>>, vector<64x256xf32>
      tpu.vector_store %arg7[%swap3A_80, %swap3A_81], %add3A_79 {strides = array<i32>} : memref<64x256xf32, #tpu.memory_space<vmem>>, vector<64x256xf32>,
    } else {
    }
    return
  }
  func.func @transform_0(%arg0: i32) -> (i32, i32) {
    %c0_i32 = arith.constant 0 : i32
    %c0_i32_0 = arith.constant 0 : i32
    return %arg0, %c0_i32 : i32, i32
  }
  func.func @transform_1(%arg0: i32) -> (i32, i32, i32) {
    %c0_i32 = arith.constant 0 : i32
    %c0_i32_0 = arith.constant 0 : i32
    %c0_i32_1 = arith.constant 0 : i32
    return %arg0, %c0_i32, %c0_i32_0 : i32, i32, i32
  }
  func.func @transform_2(%arg0: i32) -> (i32, i32, i32) {
    %c0_i32 = arith.constant 0 : i32
    %c0_i32_0 = arith.constant 0 : i32
    %c0_i32_1 = arith.constant 0 : i32
    return %c0_i32, %c0_i32_0, %arg0 : i32, i32, i32
  }
  func.func @transform_3(%arg0: i32) -> (i32, i32) {
    %c0_i32 = arith.constant 0 : i32
    %c0_i32_0 = arith.constant 0 : i32
    %c0_i32_1 = arith.constant 0 : i32
    return %c0_i32, %c0_i32_0 : i32, i32
  }
  func.func @transform_4(%arg0: i32) -> (i32, i32) {
    %c0_i32 = arith.constant 0 : i32
    %c0_i32_0 = arith.constant 0 : i32
    %c0_i32_1 = arith.constant 0 : i32
    return %c0_i32, %c0_i32_0 : i32, i32
  }
  func.func @transform_5(%arg0: i32) -> (i32, i32) {
    %c0_i32 = arith.constant 0 : i32
    %c0_i32_0 = arith.constant 0 : i32
    %c0_i32_1 = arith.constant 0 : i32
    return %c0_i32, %c0_i32_0 : i32, i32
  }
  func.func @transform_6(%arg0: i32) -> (i32, i32) {
    %c0_i32 = arith.constant 0 : i32
    %c0_i32_0 = arith.constant 0 : i32
    %c0_i32_1 = arith.constant 0 : i32
    return %c0_i32, %c0_i32_0 : i32, i32
  }
}

</mosaic_0001>

<sc_bundles>
// kernel: kernel.6.cloned.1.call-start
scs
__scs_entry_jumppad:
0x0: {  	(pc) =	sbr.rel $0x88, $3  }
0x1: {  	(tag) =	ssettag $0x0;
	lr =	simm.s32 $0x1  }
0x2: {  	[smem:$0x3F98] =	sst lr;
	_ =	strace $0xD0000000  }
0x3: {  	_ = 	snop  }
0x4: {  	_ = 	snop  }
0x5: {  	_ = 	snop  }
0x6: {  	_ = 	snop  }
0x7: {  	_ = 	snop  }
__scs_overlays_trampoline_lowered:
0x8: {  	[smem:$0x3FA7] =	sst s0  }
0x9: {  	[smem:$0x3FA8] =	sst s1  }
0xa: {  	[smem:$0x3FA9] =	sst s2  }
0xb: {  	[smem:$0x3FAA] =	sst s3  }
0xc: {  	[smem:$0x3FAB] =	sst s4  }
0xd: {  	[smem:$0x3FAC] =	sst s5  }
0xe: {  	[smem:$0x3FAD] =	sst s6  }
0xf: {  	[smem:$0x3FAE] =	sst s7  }
0x10: {  	[smem:$0x3FAF] =	sst s8  }
0x11: {  	[smem:$0x3FB0] =	sst s9;
	s0 =	simm.s32 @!p0 $0x0  }
0x12: {  	s1 =	sld [smem:$0x3F96];
	s0 =	simm.s32 @p0 $0x1  }
0x13: {  	[smem:$0x3FB1] =	sst s0;
	s0 =	simm.s32 @!p1 $0x0  }
0x14: {  	s2 =	sld [smem:$0x3F95];
	s0 =	simm.s32 @p1 $0x1  }
0x15: {  	[smem:$0x3FB2] =	sst s0;
	s0 =	simm.s32 @!p2 $0x0  }
0x16: {  	s3 =	sld [smem:$0x3FDB];
	s0 =	simm.s32 @p2 $0x1  }
0x17: {  	s4 =	simm.s32 $0x1BF5;
	[smem:$0x3FB4] =	sst s0  }
0x18: {  	s0 =	sld [smem:$0x3F97];
	_ =	swait.ge [sflag:s4], $0x0  }
0x19: {  	s7 =	sld [smem:$0x3F98]  }
0x1a: {  	s8 =	sadd.s32 $0xFFFFE003, lr  }
0x1b: {  	s9 =	sadd.s32 $0xFFFFFEF7, lr;
	s5 =	simm.s32 $0xFFFFFFFF;
	p2 =	slt.u32 s8, $0xFFFFF086  }
0x1c: {  	p1 =	slt.u32 s9, $0xF7A;
	s5 =	simm.s32 @!p2 $0x0  }
0x1d: {  	s5 =	simm.s32 @p1 $0x1;
	p0 =	seq.s32 s7, s2  }
0x1e: {  	s7 =	smul.u32 @!p0 $0xF7A, s2;
	p2 =	seq.s32 @!p0 s5, $0x0  }
0x1f: {  	s9 =	smul.u32 $0xF7A, s1;
	s8 =	simm.s32 @!p0 $0x1BF5;
	p2 =	por !p2, p0  }
0x20: {  	[sflag:s8] =	ssyncset.s32 @!p0 $0xFFFFF086;
	s6 =	sadd.s32 @!p0 s3, s7;
	s7 =	simm.s32 @!p0 $0x108  }
0x21: {  	s3 =	sadd.s32 s3, s9;
	s6 =	sadd.s32 @!p0 $0x88, s6;
	s7 =	simm.s32 @p2 $0x1082  }
0x22: {  	[simem:s7], [sflag:s8] =	dma.local @!p0 [hbm:s6], $0xF7A  }
0x23: {  	s9 =	sor.u32 $0xD0000000, s2;
	s6 =	simm.s32 $0x108;
	_ =	swait.ge @!p0 [sflag:s8], $0x0  }
0x24: {  	s3 =	sadd.s32 $0x88, s3;
	s6 =	simm.s32 @!p1 $0x1082;
	[sflag:s4] =	ssyncset.s32 $0xFFFFF086  }
0x25: {  	[simem:s6], [sflag:s4] =	dma.local [hbm:s3], $0xF7A  }
0x26: {  	[smem:$0x3F98] =	sst s1;
	(tag) =	ssettag s2;
	_ =	strace s9  }
0x27: {  	s1 =	sld [smem:$0x3FA8]  }
0x28: {  	s2 =	sld [smem:$0x3FA9]  }
0x29: {  	s4 =	sld [smem:$0x3FAB]  }
0x2a: {  	p0 =	seq.s32 s5, $0x0;
	s5 =	sld [smem:$0x3FAC]  }
0x2b: {  	s6 =	sld [smem:$0x3FAD]  }
0x2c: {  	s7 =	sld [smem:$0x3FAE]  }
0x2d: {  	s3 =	simm.s32 $0x108;
	s8 =	sld [smem:$0x3FAF]  }
0x2e: {  	s3 =	simm.s32 @!p0 $0x1082;
	s9 =	sld [smem:$0x3FB0]  }
0x2f: {  	lr =	sadd.s32 s0, s3;
	s0 =	sld [smem:$0x3FA7]  }
0x30: {  	s3 =	sld [smem:$0x3FAA]  }
0x31: {  	[smem:$0x3FB3] =	sst s10  }
0x32: {  	s10 =	sld [smem:$0x3FB1];
	_ =	sdelay $0x3  }
0x33: {  	p0 =	seq.s32 s10, $0x1;
	s10 =	sld [smem:$0x3FB3];
	_ =	sdelay $0x3  }
0x34: {  	[smem:$0x3FB3] =	sst s10  }
0x35: {  	s10 =	sld [smem:$0x3FB2];
	_ =	sdelay $0x3  }
0x36: {  	p1 =	seq.s32 s10, $0x1;
	s10 =	sld [smem:$0x3FB3];
	_ =	sdelay $0x3  }
0x37: {  	[smem:$0x3FB3] =	sst s10  }
0x38: {  	s10 =	sld [smem:$0x3FB4]  }
0x39: {  	_ = 	snop;
	(pc) =	sbr.ind lr, $3  }
0x3a: {  	_ = 	snop  }
0x3b: {  	_ = 	snop  }
0x3c: {  	p2 =	seq.s32 s10, $0x1;
	s10 =	sld [smem:$0x3FB3]  }
0x3d: {  	_ =	shalt  }
0x3e: {  	_ =	shalt  }
0x3f: {  	_ =	shalt  }
0x40: {  	_ =	shalt  }
0x41: {  	_ =	shalt  }
0x42: {  	_ =	shalt  }
0x43: {  	_ =	shalt  }
0x44: {  	_ =	shalt  }
0x45: {  	_ =	shalt  }
0x46: {  	_ =	shalt  }
0x47: {  	_ =	shalt  }
0x48: {  	_ =	shalt  }
0x49: {  	_ =	shalt  }
0x4a: {  	_ =	shalt  }
0x4b: {  	_ =	shalt  }
0x4c: {  	_ =	shalt  }
0x4d: {  	_ =	shalt  }
0x4e: {  	_ =	shalt  }
0x4f: {  	_ =	shalt  }
0x50: {  	_ =	shalt  }
0x51: {  	_ =	shalt  }
0x52: {  	_ =	shalt  }
0x53: {  	_ =	shalt  }
0x54: {  	_ =	shalt  }
0x55: {  	_ =	shalt  }
0x56: {  	_ =	shalt  }
0x57: {  	_ =	shalt  }
0x58: {  	_ =	shalt  }
0x59: {  	_ =	shalt  }
0x5a: {  	_ =	shalt  }
0x5b: {  	_ =	shalt  }
0x5c: {  	_ =	shalt  }
0x5d: {  	_ =	shalt  }
0x5e: {  	_ =	shalt  }
0x5f: {  	_ =	shalt  }
0x60: {  	_ =	shalt  }
0x61: {  	_ =	shalt  }
0x62: {  	_ =	shalt  }
0x63: {  	_ =	shalt  }
0x64: {  	_ =	shalt  }
0x65: {  	_ =	shalt  }
0x66: {  	_ =	shalt  }
0x67: {  	_ =	shalt  }
0x68: {  	_ =	shalt  }
0x69: {  	_ =	shalt  }
0x6a: {  	_ =	shalt  }
0x6b: {  	_ =	shalt  }
0x6c: {  	_ =	shalt  }
0x6d: {  	_ =	shalt  }
0x6e: {  	_ =	shalt  }
0x6f: {  	_ =	shalt  }
0x70: {  	_ =	shalt  }
0x71: {  	_ =	shalt  }
0x72: {  	_ =	shalt  }
0x73: {  	_ =	shalt  }
0x74: {  	_ =	shalt  }
0x75: {  	_ =	shalt  }
0x76: {  	_ =	shalt  }
0x77: {  	_ =	shalt  }
0x78: {  	_ =	shalt  }
0x79: {  	_ =	shalt  }
0x7a: {  	_ =	shalt  }
0x7b: {  	_ =	shalt  }
0x7c: {  	_ =	shalt  }
0x7d: {  	_ =	shalt  }
0x7e: {  	_ =	shalt  }
0x7f: {  	_ =	shalt  }
0x80: {  	_ =	shalt  }
0x81: {  	_ =	shalt  }
0x82: {  	_ =	shalt  }
0x83: {  	_ =	shalt  }
0x84: {  	_ =	shalt  }
0x85: {  	_ =	shalt  }
0x86: {  	_ =	shalt  }
0x87: {  	_ =	shalt  }
.Lfunc_end0:
.L_simem_size_0:
called_computation_lowered:
.L_overlay_start_0:
0x88: {  	s2 =	sld [smem:$0x3FD9]  }
0x89: {  	s3 =	sld [smem:$0x3FFE];
	_ =	sdelay $0x1  }
0x8a: {  	s1 =	srdreg.scid  }
0x8b: {  	s0 =	sand.u32 $0x1, s1  }
0x8c: {  	s16 =	sshll.u32 s0, $0xA;
	s2 =	sadd.s32 s3, s2  }
0x8d: {  	s2 =	sadd.s32 s2, s16  }
0x8e: {  	[smem:$0x3FBF] =	sst s2  }
0x8f: {  	_ = 	snop  }
0x90: {  	(tm) =	ssettm $0x1  }
0x91: {  	s17 =	sld [smem:$0x3FFB];
	_ =	sdelay $0x3  }
0x92: {  	_ =	strace s17  }
0x93: {  	s2 =	sld [smem:$0x3FFC];
	_ =	sdelay $0x3  }
0x94: {  	_ =	strace s2  }
0x95: {  	s2 =	sld [smem:$0x3FFD];
	_ =	sdelay $0x3  }
0x96: {  	_ =	strace s2  }
0x97: {  	_ =	strace $0x8FFFFFFF  }
0x98: {  	s18 =	sld [smem:$0x3FDB];
	_ =	sdelay $0x1  }
0x99: {  	s19 =	simm.s32 $_scs_section_size  }
0x9a: {  	s4 =	simm.s32 $_size__tile_overlayer_lowered;
	s5 =	simm.s32 $_tile_overlayer_lowered  }
0x9b: {  	s22 =	simm.s32 $0x1BFF;
	s21 =	sshll.u32 s5, $0x1;
	s2 =	sadd.s32 s19, s18  }
0x9c: {  	s6 =	simm.s32 $0x0;
	s20 =	sshll.u32 s4, $0x1;
	s4 =	sadd.s32 s21, s2  }
0x9d: {  	[timem:s6], [sflag:s22] =	dma.local [hbm:s4], s20  }
0x9e: {  	_ =	swait.ge [sflag:s22], s20  }
0x9f: {  	s3 =	ssub.s32 $0x0, s20;
	[sflag:s22] =	ssyncset.done $0x0  }
0xa0: {  	[sflag:s22] =	ssyncadd.s32 s3;
	_ =	sdelay $0x1  }
0xa1: {  	s23 =	simm.s32 $0x1B8B  }
0xa2: {  	_ =	swait.ge [sflag:s23], $0x1  }
0xa3: {  	[sflag:s23] =	ssyncset.done $0x0  }
0xa4: {  	s25 =	simm.s32 $0x1B8E;
	s24 =	sld [smem:$0x3FFE];
	[sflag:s23] =	ssyncadd.s32 $0xFFFFFFFF  }
0xa5: {  	s26 =	simm.s32 $execute0_lowered;
	[smem:$0x3FD2] =	sst s25  }
0xa6: {  	s4 =	sshll.u32 s26, $0x1;
	_ =	strace $0x80000046;
	[dreg:$0x1] =	wrdreg $0xFFFFFFFF  }
0xa7: {  	s28 =	simm.s32 $_size_execute0_lowered;
	s2 =	sadd.s32 s2, s4;
	[dreg:$0x0] =	wrdreg $0x0  }
0xa8: {  	s4 =	sshll.u32 s28, $0x1;
	[dreg:$0x2] =	wrdreg s2  }
0xa9: {  	[dreg:$0x3] =	wrdreg s4  }
0xaa: {  	[dreg:$0x4] =	wrdreg $0xC0  }
0xab: {  	_ =	task [dreg:s6], $0x5FFFF  }
0xac: {  	[dreg:$0x1] =	wrdreg $0xFFFFFFFF  }
0xad: {  	[dreg:$0x0] =	wrdreg $0x60  }
0xae: {  	[dreg:$0x2] =	wrdreg s24  }
0xaf: {  	[dreg:$0x3] =	wrdreg $0x6E500  }
0xb0: {  	[dreg:$0x4] =	wrdreg $0x9  }
0xb1: {  	_ =	task.clear_ibuf [dreg:s6], $0x5FFFF;
	_ =	strace $0x90000046  }
0xb2: {  	s29 =	simm.s32 $0x9;
	_ =	strace $0x80000048  }
0xb3: {  	_ =	swait.ge [sflag:s29], $0x1  }
0xb4: {  	[sflag:s29] =	ssyncadd.s32 $0xFFFFFFFF  }
0xb5: {  	_ =	strace $0x90000048  }
0xb6: {  	_ =	sfence  }
0xb7: {  	s30 =	sld [smem:$0x0];
	_ =	sdelay $0x2  }
0xb8: {  	s31 =	sshll.u32 s1, $0xD;
	s1 =	sshrl.u32 s1, $0x2  }
0xb9: {  	s3 =	sand.u32 $0x4000, s31;
	s1 =	sadd.s32 s1, s30  }
0xba: {  	s0 =	sor.u32 s3, s0;
	s1 =	sshll.u32 s1, $0x11  }
0xbb: {  	s0 =	sor.u32 s1, s0  }
0xbc: {  	s0 =	sadd.s32 $0x8F2B, s0  }
0xbd: {  	[sflag:s0] =	ssyncadd.remote.s32 $0x1  }
0xbe: {  	_ =	sfence.sel $0xFFFF  }
0xbf: {  	[dreg:$0x0] =	wrdreg $0xFFFFFFFF;
	(pc) =	sbr.abs _section_cstart, $3  }
0xc0: {  	[dreg:$0x1] =	wrdreg $0xFFFFFFFF  }
0xc1: {  	_ =	task.clear_ibuf [dreg:s6], $0x2FFFF;
	_ =	strace $0x9FFFFFFF  }
0xc2: {  	(tm) =	ssettm $0x7FFFFFFF  }
0xc3: {  	_ =	shalt  }
tec
execute0_lowered:
.L_overlay_start_1:
0x0: {  	(tag) =	ssettag $0x1  }
0x1: {  	s0 =	srdreg.scid  }
0x2: {  	s26 =	stileid.u32;
	s6 =	rddreg [dreg:$0x0]  }
0x3: {  	s2 =	rddreg [dreg:$0x1];
	s3 =	simm.s32 $0x0;
	s16 =	simm.s32 $0x2  }
0x4: {  	s18 =	simm.s32 $0x2800;
	s19 =	simm.s32 $0x7D;
	s8 =	smul.u32 $0x14000, s26  }
0x5: {  	s20 =	simm.s32 $0x1;
	s23 =	simm.s32 $0x10;
	s10 =	smul.u32 $0x2800, s26  }
0x6: {  	s24 =	simm.s32 $0x12;
	s5 =	sand.u32 $0x1, s0;
	s28 =	smul.u32 $0x5A000, s26  }
0x7: {  	[smem:$0x7FF] =	sst s3;
	s21 =	sshll.u32 s26, $0x6;
	s4 =	smul.u32 $0x140000, s5  }
0x8: {  	s1 =	sshll.u32 s5, $0x4;
	s9 =	smul.u32 $0x28000, s5;
	_ =	strace $0x80000047  }
0x9: {  	s5 =	ssub.s32 $0x2, s5;
	s21 =	sor.u32 $0x1C02, s21;
	s1 =	sor.u32 s26, s1  }
0xa: {  	s30 =	sshrl.u32 s5, $0x1;
	s31 =	sshrl.u32 s28, $0x2;
	s26 =	simm.s32 $0x0  }
0xb: {  	s7 =	smul.u32 $0x280, s1;
	s8 =	sadd.s32 s8, s4;
	s4 =	sadd.s32 $0x65A00, s6  }
0xc: {  	s9 =	sadd.s32 s10, s9;
	s13 =	ssub.s32 s5, s30;
	s8 =	sshrl.u32 s8, $0x3  }
0xd: {  	s29 =	sshrl.u32 s9, $0x3;
	s7 =	sadd.s32 s7, s6;
	s11 =	sadd.s32 s8, s6  }
0xe: {  	s12 =	sadd.s32 s29, s6;
	s5 =	sadd.s32 $0x10A00, s7;
	s6 =	sadd.s32 $0xBA00, s7  }
0xf: {  	s7 =	sadd.s32 s31, s2;
	s9 =	sadd.s32 $0x9CA00, s11;
	s10 =	sadd.s32 $0x92A00, s12  }
0x10: {  	s11 =	smax.u32 s13, $0x1;
	s8 =	sadd.s32 $0x15F90, s7;
	s25 =	sadd.s32 $0x80, s7  }
0x11: {  	s12 =	sadd.s32 $0x4650, s7;
	s13 =	sadd.s32 $0x8CA0, s7;
	s14 =	sadd.s32 $0xD2F0, s7  }
0x12: {  	v0 =	vimm.f32 $0.0e+00;
	s15 =	sadd.s32 $0x11940, s7;
	s22 =	sshrl.u32 s7, $0x3;
	s25 =	sshrl.u32 s25, $0x3  }
.LBB2_1:
0x13: {  	[tilespmem:s3], [sflag:$0x2] =	stream.linear.gather [hbm4b:s5+s3], $0x1400, $0x38;
	[tilespmem:$0x1D650] =	vst v63  }
0x14: {  	_ =	swait.ge [sflag:s16], $0x1400  }
0x15: {  	[sflag:s16] =	ssyncset.done $0x0  }
0x16: {  	s0 =	simm.s32 $0x1400;
	s28 =	smul.u32 $0xE38F, s3;
	[sflag:s16] =	ssyncadd.s32 $0xFFFFEC00  }
0x17: {  	[tilespmem:s0], [sflag:$0x2] =	stream.linear.gather [hbm4b:s6+s3], $0x1400, $0x38;
	[tilespmem:$0x1D650] =	vst v63  }
0x18: {  	_ =	swait.ge [sflag:s16], $0x1400  }
0x19: {  	s30 =	simm.s32 $0x0;
	s29 =	sshrl.u32 s28, $0x13;
	[sflag:s16] =	ssyncset.done $0x0  }
0x1a: {  	s28 =	simm.s32 $0x1;
	s31 =	smul.u32 $0x9, s29;
	[sflag:s16] =	ssyncadd.s32 $0xFFFFEC00  }
.LBB2_2:
0x1b: {  	s1 =	smul.u32 $0xE38F, s28  }
0x1c: {  	s0 =	smov.u32 s28;
	s29 =	smul.u32 $0x240, s29;
	p0 =	sne.s32 s28, $0x464  }
.Ltmp0:
0x1d: {  	s30 =	ssub.s32 s30, s31;
	(pc) =	sbr.rel @p0 .LBB2_2-.Ltmp0, $4  }
0x1e: {  	s28 =	sadd.s32 $0x1, s28;
	s30 =	sand.u32 $0xFFFF, s30  }
0x1f: {  	s31 =	sshrl.u32 s29, $0x2;
	s17 =	sshll.u32 s30, $0x4;
	s30 =	smov.u32 s0  }
0x20: {  	s29 =	sshrl.u32 s1, $0x13;
	s0 =	sadd.s32 s17, s31  }
0x21: {  	s31 =	smul.u32 $0x9, s29;
	[tilespmem:s0+$0x2800] =	vst v0  }
0x22: {  	_ = 	snop  }
0x23: {  	s1 =	smul.u32 $0x240, s29;
	s0 =	ssub.s32 s30, s31  }
0x24: {  	s0 =	sand.u32 $0xFFFF, s0  }
0x25: {  	s1 =	sshrl.u32 s1, $0x2;
	s0 =	sshll.u32 s0, $0x4  }
0x26: {  	s0 =	sadd.s32 s0, s1  }
0x27: {  	[tilespmem:s0+$0x2800] =	vst v0  }
0x28: {  	[spmem:s7] =	stream.linear.scatter [tilespmem:s18], [sflag:$0x2], $0x4650, $0x38;
	[tilespmem:$0x1D650] =	vst v63  }
0x29: {  	_ =	swait.ge [sflag:s16], $0x4650  }
0x2a: {  	[sflag:s16] =	ssyncset.done $0x0  }
0x2b: {  	[sflag:s16] =	ssyncadd.s32 $0xFFFFB9B0  }
0x2c: {  	[spmem:s12] =	stream.linear.scatter [tilespmem:s18], [sflag:$0x2], $0x4650, $0x38;
	[tilespmem:$0x1D650] =	vst v63  }
0x2d: {  	_ =	swait.ge [sflag:s16], $0x4650  }
0x2e: {  	[sflag:s16] =	ssyncset.done $0x0  }
0x2f: {  	[sflag:s16] =	ssyncadd.s32 $0xFFFFB9B0  }
0x30: {  	[spmem:s13] =	stream.linear.scatter [tilespmem:s18], [sflag:$0x2], $0x4650, $0x38;
	[tilespmem:$0x1D650] =	vst v63  }
0x31: {  	_ =	swait.ge [sflag:s16], $0x4650  }
0x32: {  	[sflag:s16] =	ssyncset.done $0x0  }
0x33: {  	[sflag:s16] =	ssyncadd.s32 $0xFFFFB9B0  }
0x34: {  	[spmem:s14] =	stream.linear.scatter [tilespmem:s18], [sflag:$0x2], $0x4650, $0x38;
	[tilespmem:$0x1D650] =	vst v63  }
0x35: {  	_ =	swait.ge [sflag:s16], $0x4650  }
0x36: {  	[sflag:s16] =	ssyncset.done $0x0  }
0x37: {  	[sflag:s16] =	ssyncadd.s32 $0xFFFFB9B0  }
0x38: {  	[spmem:s15] =	stream.linear.scatter [tilespmem:s18], [sflag:$0x2], $0x4650, $0x38;
	[tilespmem:$0x1D650] =	vst v63  }
0x39: {  	_ =	swait.ge [sflag:s16], $0x4650  }
0x3a: {  	[sflag:s16] =	ssyncset.done $0x0  }
0x3b: {  	[sflag:s16] =	ssyncadd.s32 $0xFFFFB9B0  }
0x3c: {  	[spmem:s8] =	stream.linear.scatter [tilespmem:s18], [sflag:$0x2], $0x870, $0x38;
	[tilespmem:$0x1D650] =	vst v63  }
0x3d: {  	_ =	swait.ge [sflag:s16], $0x870  }
0x3e: {  	[sflag:s16] =	ssyncset.done $0x0  }
0x3f: {  	[sflag:s16] =	ssyncadd.s32 $0xFFFFF790  }
0x40: {  	s30 =	simm.s32 $0x0;
	[bflag:$0x0] =	sbarrier.arrive $0xFFFF  }
0x41: {  	[tilespmem:s18], [sflag:$0x1] =	stream.indirect.gather [hbm4b:s4+s19], $0x90, s30, s19, $0xb8;
	[tilespmem:$0x1D650] =	vst v63  }
0x42: {  	_ =	swait.ge [sflag:s20], $0x4650  }
0x43: {  	[sflag:s20] =	ssyncset.done $0x0  }
0x44: {  	s31 =	simm.s32 $0x1400;
	[sflag:s20] =	ssyncadd.s32 $0xFFFFB9B0  }
0x45: {  	[spmem:s2] =	stream.indirect.scatter.add.f32 [tilespmem:s18], [sflag:$0x2], $0x90, s31, s19, $0xb8;
	[tilespmem:$0x1D650] =	vst v63  }
0x46: {  	_ =	swait.ge [sflag:s16], $0x4650  }
0x47: {  	s28 =	simm.s32 $0x200;
	s29 =	simm.s32 $0x400;
	[sflag:s16] =	ssyncset.done $0x0  }
.LBB2_4:
0x48: {  	s0 =	sshra.s32 s28, $0x2  }
0x49: {  	[sflag:s16] =	ssyncadd.s32 $0xFFFFB9B0;
	s28 =	smov.u32 s29;
	s1 =	sadd.s32 $0x200, s29  }
0x4a: {  	[tilespmem:s18], [sflag:$0x1] =	stream.indirect.gather [hbm4b:s4+s19], $0x90, s0, s19, $0xb8;
	[tilespmem:$0x1D650] =	vst v63  }
0x4b: {  	p0 =	sne.s32 s29, $0x4E00;
	_ =	swait.ge [sflag:s20], $0x4650  }
.Ltmp1:
0x4c: {  	[sflag:s20] =	ssyncset.done $0x0;
	(pc) =	sbr.rel @p0 .LBB2_4-.Ltmp1, $4  }
0x4d: {  	s0 =	sadd.s32 $0x1400, s0;
	[sflag:s20] =	ssyncadd.s32 $0xFFFFB9B0  }
0x4e: {  	[spmem:s2] =	stream.indirect.scatter.add.f32 [tilespmem:s18], [sflag:$0x2], $0x90, s0, s19, $0xb8;
	[tilespmem:$0x1D650] =	vst v63  }
0x4f: {  	_ =	swait.ge [sflag:s16], $0x4650  }
0x50: {  	s29 =	smov.u32 s1;
	[sflag:s16] =	ssyncset.done $0x0  }
0x51: {  	s0 =	sshra.s32 s28, $0x2;
	[sflag:s16] =	ssyncadd.s32 $0xFFFFB9B0  }
0x52: {  	[tilespmem:s18], [sflag:$0x1] =	stream.indirect.gather [hbm4b:s4+s19], $0x90, s0, s19, $0xb8;
	[tilespmem:$0x1D650] =	vst v63  }
0x53: {  	_ =	swait.ge [sflag:s20], $0x4650  }
0x54: {  	[sflag:s20] =	ssyncset.done $0x0  }
0x55: {  	s0 =	sadd.s32 $0x1400, s0;
	[sflag:s20] =	ssyncadd.s32 $0xFFFFB9B0  }
0x56: {  	[spmem:s2] =	stream.indirect.scatter.add.f32 [tilespmem:s18], [sflag:$0x2], $0x90, s0, s19, $0xb8;
	[tilespmem:$0x1D650] =	vst v63  }
0x57: {  	_ =	swait.ge [sflag:s16], $0x4650  }
0x58: {  	[sflag:s16] =	ssyncset.done $0x0  }
0x59: {  	[sflag:s16] =	ssyncadd.s32 $0xFFFFB9B0  }
0x5a: {  	[bflag:$0x0] =	sbarrier.arrive $0xFFFF  }
0x5b: {  	[hbm:s9@s23], [sflag:s21] =	dma.strided [spmem:s22@s24], $0x2800, s20, $0x10   }
0x5c: {  	s26 =	sadd.s32 $0x1, s26;
	_ =	swait.ge [sflag:s16], $0x2800  }
0x5d: {  	p0 =	sne.s32 s26, s11;
	[sflag:s16] =	ssyncset.done $0x0  }
.Ltmp2:
0x5e: {  	[sflag:s16] =	ssyncadd.s32 $0xFFFFD800;
	(pc) =	sbr.rel @p0 .LBB2_1-.Ltmp2, $4  }
0x5f: {  	[hbm:s10@s16], [sflag:s21] =	dma.strided [spmem:s25@s24], $0x500, s20, $0x2   }
0x60: {  	_ =	swait.ge [sflag:s16], $0x500  }
0x61: {  	[sflag:s16] =	ssyncset.done $0x0  }
0x62: {  	[sflag:s16] =	ssyncadd.s32 $0xFFFFFB00  }
0x63: {  	_ =	sfence.sel $0x180000  }
0x64: {  	[bflag:$0x0] =	sbarrier.arrive $0xFFFF  }
0x65: {  	_ =	strace $0x90000047  }
0x66: {  	s0 =	stileid.u32;
	[bflag:$0x2] =	sbarrier.arrive $0xFFFF  }
0x67: {  	p0 =	sne.s32 s0, $0x0;
	s0 =	rddreg [dreg:$0x2]  }
0x68: {  	s0 =	sadd.s32 @!p0 $0x100000, s0  }
0x69: {  	[sflag:s0] =	ssyncadd.tile.s32 @!p0 $0x1;
	_ =	shalt  }
.Lfunc_end2:
_tile_overlayer_lowered:
.L_overlay_start_2:
0x6a: {  	(tag) =	ssettag $0x2  }
0x6b: {  	s0 =	rddreg [dreg:$0x0];
	s2 =	stileid.u32  }
0x6c: {  	s1 =	rddreg [dreg:$0x1];
	p0 =	sne.s32 s2, $0x0  }
0x6d: {  	s3 =	rddreg [dreg:$0x2];
	[bflag:$0x3] =	sbarrier.arrive $0xFFFF;
	s2 =	simm.s32 @!p0 $0x1C02  }
0x6e: {  	[timem:s3], [sflag:s2] =	dma.local @!p0 [hbm:s0], s1  }
0x6f: {  	s0 =	simm.s32 @!p0 $0x2  }
0x70: {  	_ =	swait.ge @!p0 [sflag:s0], s1  }
0x71: {  	s1 =	ssub.s32 @!p0 $0x0, s1;
	[sflag:s0] =	ssyncset.done @!p0 $0x0  }
0x72: {  	[sflag:s0] =	ssyncadd.s32 @!p0 s1  }
0x73: {  	[bflag:$0x3] =	sbarrier.arrive $0xFFFF  }
0x74: {  	_ =	shalt  }

// kernel: kernel.9.cloned.1.call-start
scs
__scs_entry_jumppad:
0x0: {  	(pc) =	sbr.rel $0x88, $3  }
0x1: {  	(tag) =	ssettag $0x0;
	lr =	simm.s32 $0x1  }
0x2: {  	[smem:$0x3F98] =	sst lr;
	_ =	strace $0xD0000000  }
0x3: {  	_ = 	snop  }
0x4: {  	_ = 	snop  }
0x5: {  	_ = 	snop  }
0x6: {  	_ = 	snop  }
0x7: {  	_ = 	snop  }
__scs_overlays_trampoline_lowered:
0x8: {  	[smem:$0x3FA7] =	sst s0  }
0x9: {  	[smem:$0x3FA8] =	sst s1  }
0xa: {  	[smem:$0x3FA9] =	sst s2  }
0xb: {  	[smem:$0x3FAA] =	sst s3  }
0xc: {  	[smem:$0x3FAB] =	sst s4  }
0xd: {  	[smem:$0x3FAC] =	sst s5  }
0xe: {  	[smem:$0x3FAD] =	sst s6  }
0xf: {  	[smem:$0x3FAE] =	sst s7  }
0x10: {  	[smem:$0x3FAF] =	sst s8  }
0x11: {  	[smem:$0x3FB0] =	sst s9;
	s0 =	simm.s32 @!p0 $0x0  }
0x12: {  	s1 =	sld [smem:$0x3F96];
	s0 =	simm.s32 @p0 $0x1  }
0x13: {  	[smem:$0x3FB1] =	sst s0;
	s0 =	simm.s32 @!p1 $0x0  }
0x14: {  	s2 =	sld [smem:$0x3F95];
	s0 =	simm.s32 @p1 $0x1  }
0x15: {  	[smem:$0x3FB2] =	sst s0;
	s0 =	simm.s32 @!p2 $0x0  }
0x16: {  	s3 =	sld [smem:$0x3FDB];
	s0 =	simm.s32 @p2 $0x1  }
0x17: {  	s4 =	simm.s32 $0x1BF5;
	[smem:$0x3FB4] =	sst s0  }
0x18: {  	s0 =	sld [smem:$0x3F97];
	_ =	swait.ge [sflag:s4], $0x0  }
0x19: {  	s7 =	sld [smem:$0x3F98]  }
0x1a: {  	s8 =	sadd.s32 $0xFFFFE003, lr  }
0x1b: {  	s9 =	sadd.s32 $0xFFFFFEF7, lr;
	s5 =	simm.s32 $0xFFFFFFFF;
	p2 =	slt.u32 s8, $0xFFFFF086  }
0x1c: {  	p1 =	slt.u32 s9, $0xF7A;
	s5 =	simm.s32 @!p2 $0x0  }
0x1d: {  	s5 =	simm.s32 @p1 $0x1;
	p0 =	seq.s32 s7, s2  }
0x1e: {  	s7 =	smul.u32 @!p0 $0xF7A, s2;
	p2 =	seq.s32 @!p0 s5, $0x0  }
0x1f: {  	s9 =	smul.u32 $0xF7A, s1;
	s8 =	simm.s32 @!p0 $0x1BF5;
	p2 =	por !p2, p0  }
0x20: {  	[sflag:s8] =	ssyncset.s32 @!p0 $0xFFFFF086;
	s6 =	sadd.s32 @!p0 s3, s7;
	s7 =	simm.s32 @!p0 $0x108  }
0x21: {  	s3 =	sadd.s32 s3, s9;
	s6 =	sadd.s32 @!p0 $0x88, s6;
	s7 =	simm.s32 @p2 $0x1082  }
0x22: {  	[simem:s7], [sflag:s8] =	dma.local @!p0 [hbm:s6], $0xF7A  }
0x23: {  	s9 =	sor.u32 $0xD0000000, s2;
	s6 =	simm.s32 $0x108;
	_ =	swait.ge @!p0 [sflag:s8], $0x0  }
0x24: {  	s3 =	sadd.s32 $0x88, s3;
	s6 =	simm.s32 @!p1 $0x1082;
	[sflag:s4] =	ssyncset.s32 $0xFFFFF086  }
0x25: {  	[simem:s6], [sflag:s4] =	dma.local [hbm:s3], $0xF7A  }
0x26: {  	[smem:$0x3F98] =	sst s1;
	(tag) =	ssettag s2;
	_ =	strace s9  }
0x27: {  	s1 =	sld [smem:$0x3FA8]  }
0x28: {  	s2 =	sld [smem:$0x3FA9]  }
0x29: {  	s4 =	sld [smem:$0x3FAB]  }
0x2a: {  	p0 =	seq.s32 s5, $0x0;
	s5 =	sld [smem:$0x3FAC]  }
0x2b: {  	s6 =	sld [smem:$0x3FAD]  }
0x2c: {  	s7 =	sld [smem:$0x3FAE]  }
0x2d: {  	s3 =	simm.s32 $0x108;
	s8 =	sld [smem:$0x3FAF]  }
0x2e: {  	s3 =	simm.s32 @!p0 $0x1082;
	s9 =	sld [smem:$0x3FB0]  }
0x2f: {  	lr =	sadd.s32 s0, s3;
	s0 =	sld [smem:$0x3FA7]  }
0x30: {  	s3 =	sld [smem:$0x3FAA]  }
0x31: {  	[smem:$0x3FB3] =	sst s10  }
0x32: {  	s10 =	sld [smem:$0x3FB1];
	_ =	sdelay $0x3  }
0x33: {  	p0 =	seq.s32 s10, $0x1;
	s10 =	sld [smem:$0x3FB3];
	_ =	sdelay $0x3  }
0x34: {  	[smem:$0x3FB3] =	sst s10  }
0x35: {  	s10 =	sld [smem:$0x3FB2];
	_ =	sdelay $0x3  }
0x36: {  	p1 =	seq.s32 s10, $0x1;
	s10 =	sld [smem:$0x3FB3];
	_ =	sdelay $0x3  }
0x37: {  	[smem:$0x3FB3] =	sst s10  }
0x38: {  	s10 =	sld [smem:$0x3FB4]  }
0x39: {  	_ = 	snop;
	(pc) =	sbr.ind lr, $3  }
0x3a: {  	_ = 	snop  }
0x3b: {  	_ = 	snop  }
0x3c: {  	p2 =	seq.s32 s10, $0x1;
	s10 =	sld [smem:$0x3FB3]  }
0x3d: {  	_ =	shalt  }
0x3e: {  	_ =	shalt  }
0x3f: {  	_ =	shalt  }
0x40: {  	_ =	shalt  }
0x41: {  	_ =	shalt  }
0x42: {  	_ =	shalt  }
0x43: {  	_ =	shalt  }
0x44: {  	_ =	shalt  }
0x45: {  	_ =	shalt  }
0x46: {  	_ =	shalt  }
0x47: {  	_ =	shalt  }
0x48: {  	_ =	shalt  }
0x49: {  	_ =	shalt  }
0x4a: {  	_ =	shalt  }
0x4b: {  	_ =	shalt  }
0x4c: {  	_ =	shalt  }
0x4d: {  	_ =	shalt  }
0x4e: {  	_ =	shalt  }
0x4f: {  	_ =	shalt  }
0x50: {  	_ =	shalt  }
0x51: {  	_ =	shalt  }
0x52: {  	_ =	shalt  }
0x53: {  	_ =	shalt  }
0x54: {  	_ =	shalt  }
0x55: {  	_ =	shalt  }
0x56: {  	_ =	shalt  }
0x57: {  	_ =	shalt  }
0x58: {  	_ =	shalt  }
0x59: {  	_ =	shalt  }
0x5a: {  	_ =	shalt  }
0x5b: {  	_ =	shalt  }
0x5c: {  	_ =	shalt  }
0x5d: {  	_ =	shalt  }
0x5e: {  	_ =	shalt  }
0x5f: {  	_ =	shalt  }
0x60: {  	_ =	shalt  }
0x61: {  	_ =	shalt  }
0x62: {  	_ =	shalt  }
0x63: {  	_ =	shalt  }
0x64: {  	_ =	shalt  }
0x65: {  	_ =	shalt  }
0x66: {  	_ =	shalt  }
0x67: {  	_ =	shalt  }
0x68: {  	_ =	shalt  }
0x69: {  	_ =	shalt  }
0x6a: {  	_ =	shalt  }
0x6b: {  	_ =	shalt  }
0x6c: {  	_ =	shalt  }
0x6d: {  	_ =	shalt  }
0x6e: {  	_ =	shalt  }
0x6f: {  	_ =	shalt  }
0x70: {  	_ =	shalt  }
0x71: {  	_ =	shalt  }
0x72: {  	_ =	shalt  }
0x73: {  	_ =	shalt  }
0x74: {  	_ =	shalt  }
0x75: {  	_ =	shalt  }
0x76: {  	_ =	shalt  }
0x77: {  	_ =	shalt  }
0x78: {  	_ =	shalt  }
0x79: {  	_ =	shalt  }
0x7a: {  	_ =	shalt  }
0x7b: {  	_ =	shalt  }
0x7c: {  	_ =	shalt  }
0x7d: {  	_ =	shalt  }
0x7e: {  	_ =	shalt  }
0x7f: {  	_ =	shalt  }
0x80: {  	_ =	shalt  }
0x81: {  	_ =	shalt  }
0x82: {  	_ =	shalt  }
0x83: {  	_ =	shalt  }
0x84: {  	_ =	shalt  }
0x85: {  	_ =	shalt  }
0x86: {  	_ =	shalt  }
0x87: {  	_ =	shalt  }
.Lfunc_end0:
.L_simem_size_0:
called_computation.1_lowered:
.L_overlay_start_0:
0x88: {  	s2 =	sld [smem:$0x3FD9]  }
0x89: {  	s3 =	sld [smem:$0x3FFE];
	_ =	sdelay $0x1  }
0x8a: {  	s1 =	srdreg.scid  }
0x8b: {  	s0 =	sand.u32 $0x1, s1  }
0x8c: {  	s17 =	sshll.u32 s0, $0xA;
	s2 =	sadd.s32 s3, s2  }
0x8d: {  	s2 =	sadd.s32 s2, s17  }
0x8e: {  	[smem:$0x3FBF] =	sst s2  }
0x8f: {  	_ = 	snop  }
0x90: {  	s2 =	sld [smem:$0x3FD0];
	(tm) =	ssettm $0x1  }
0x91: {  	s18 =	sld [smem:$0x3FFB];
	_ =	sdelay $0x3  }
0x92: {  	_ =	strace s18  }
0x93: {  	s3 =	sld [smem:$0x3FFC];
	_ =	sdelay $0x3  }
0x94: {  	_ =	strace s3  }
0x95: {  	s3 =	sld [smem:$0x3FFD];
	_ =	sdelay $0x3  }
0x96: {  	_ =	strace s3  }
0x97: {  	_ =	strace $0x8FFFFFFF  }
0x98: {  	s19 =	sld [smem:$0x3FDB];
	_ =	sdelay $0x1  }
0x99: {  	s4 =	simm.s32 $_scs_section_size  }
0x9a: {  	s5 =	simm.s32 $_size__tile_overlayer_lowered;
	s6 =	simm.s32 $_tile_overlayer_lowered  }
0x9b: {  	s22 =	simm.s32 $0x1BFF;
	s21 =	sshll.u32 s6, $0x1;
	s3 =	sadd.s32 s4, s19  }
0x9c: {  	s7 =	simm.s32 $0x0;
	s20 =	sshll.u32 s5, $0x1;
	s5 =	sadd.s32 s21, s3  }
0x9d: {  	[timem:s7], [sflag:s22] =	dma.local [hbm:s5], s20  }
0x9e: {  	_ =	swait.ge [sflag:s22], s20  }
0x9f: {  	s4 =	ssub.s32 $0x0, s20;
	[sflag:s22] =	ssyncset.done $0x0  }
0xa0: {  	[sflag:s22] =	ssyncadd.s32 s4;
	_ =	sdelay $0x1  }
0xa1: {  	s23 =	simm.s32 $0x1B8B  }
0xa2: {  	_ =	swait.ge [sflag:s23], $0x1  }
0xa3: {  	[sflag:s23] =	ssyncset.done $0x0  }
0xa4: {  	s25 =	simm.s32 $0x1B8E;
	s24 =	sld [smem:$0x3FFE];
	[sflag:s23] =	ssyncadd.s32 $0xFFFFFFFF  }
0xa5: {  	s26 =	simm.s32 $execute0_lowered;
	[smem:$0x3FD2] =	sst s25  }
0xa6: {  	s5 =	sshll.u32 s26, $0x1;
	_ =	strace $0x80000049;
	[dreg:$0x1] =	wrdreg $0xFFFFFFFF  }
0xa7: {  	s28 =	simm.s32 $_size_execute0_lowered;
	s3 =	sadd.s32 s3, s5;
	[dreg:$0x0] =	wrdreg $0x0  }
0xa8: {  	s5 =	sshll.u32 s28, $0x1;
	[dreg:$0x2] =	wrdreg s3  }
0xa9: {  	[dreg:$0x3] =	wrdreg s5  }
0xaa: {  	[dreg:$0x4] =	wrdreg $0xC0  }
0xab: {  	_ =	task [dreg:s7], $0x5FFFF  }
0xac: {  	[dreg:$0x1] =	wrdreg $0xFFFFFFFF  }
0xad: {  	[dreg:$0x0] =	wrdreg $0x60  }
0xae: {  	[dreg:$0x2] =	wrdreg s24  }
0xaf: {  	[dreg:$0x3] =	wrdreg s2  }
0xb0: {  	[dreg:$0x4] =	wrdreg $0x7D000  }
0xb1: {  	[dreg:$0x5] =	wrdreg $0x9  }
0xb2: {  	_ =	task.clear_ibuf [dreg:s7], $0x6FFFF;
	_ =	strace $0x90000049  }
0xb3: {  	s29 =	simm.s32 $0x9;
	_ =	strace $0x8000004B  }
0xb4: {  	_ =	swait.ge [sflag:s29], $0x1  }
0xb5: {  	[sflag:s29] =	ssyncadd.s32 $0xFFFFFFFF  }
0xb6: {  	_ =	strace $0x9000004B  }
0xb7: {  	_ =	sfence  }
0xb8: {  	s30 =	sld [smem:$0x0];
	_ =	sdelay $0x2  }
0xb9: {  	s31 =	sshll.u32 s1, $0xD;
	s1 =	sshrl.u32 s1, $0x2  }
0xba: {  	s3 =	sand.u32 $0x4000, s31;
	s1 =	sadd.s32 s1, s30  }
0xbb: {  	s0 =	sor.u32 s3, s0;
	s1 =	sshll.u32 s1, $0x11  }
0xbc: {  	s0 =	sor.u32 s1, s0  }
0xbd: {  	s0 =	sadd.s32 $0x8F2B, s0  }
0xbe: {  	[sflag:s0] =	ssyncadd.remote.s32 $0x1  }
0xbf: {  	_ =	sfence.sel $0xFFFF  }
0xc0: {  	[dreg:$0x0] =	wrdreg $0xFFFFFFFF;
	(pc) =	sbr.abs _section_cstart, $3  }
0xc1: {  	[dreg:$0x1] =	wrdreg $0xFFFFFFFF  }
0xc2: {  	_ =	task.clear_ibuf [dreg:s7], $0x2FFFF;
	_ =	strace $0x9FFFFFFF  }
0xc3: {  	(tm) =	ssettm $0x7FFFFFFF  }
tec
execute0_lowered:
.L_overlay_start_1:
0x0: {  	(tag) =	ssettag $0x1  }
0x1: {  	s6 =	rddreg [dreg:$0x0]  }
0x2: {  	s0 =	srdreg.scid;
	s2 =	rddreg [dreg:$0x1]  }
0x3: {  	s3 =	rddreg [dreg:$0x2];
	s4 =	simm.s32 $0x0;
	s7 =	sand.u32 $0x1, s0  }
0x4: {  	s0 =	stileid.u32;
	[smem:$0x7FF] =	sst s4;
	s12 =	sadd.s32 $0xC000, s6  }
0x5: {  	s1 =	sshll.u32 s7, $0x4;
	s9 =	ssub.s32 $0x2, s7;
	s17 =	smul.u32 $0x28000, s0  }
0x6: {  	s11 =	sshll.u32 s0, $0x2;
	s10 =	smul.u32 $0xA0000, s7;
	s14 =	sshrl.u32 s0, $0x1  }
0x7: {  	s15 =	sshll.u32 s0, $0x9;
	s25 =	sshllo.u32 s0, $0x2;
	s5 =	sor.u32 s0, s1  }
0x8: {  	s1 =	rddreg [dreg:$0x3];
	_ =	strace $0x8000004A;
	s16 =	sshrl.u32 s9, $0x1  }
0x9: {  	s18 =	smul.u32 $0x14000, s14;
	s19 =	sor.u32 $0x1, s11;
	s20 =	sand.u32 $0x200, s15  }
0xa: {  	s11 =	sor.u32 $0x2, s11;
	s28 =	sshll.u32 s25, $0x7;
	s5 =	smul.u32 $0x271, s5  }
0xb: {  	s13 =	ssub.s32 s9, s16;
	s9 =	sshrl.u32 s17, $0x2;
	s16 =	sshll.u32 s19, $0x7  }
0xc: {  	s14 =	smul.u32 $0xA000, s19;
	s24 =	sshll.u32 s11, $0x7;
	s29 =	sand.u32 $0x380, s28  }
0xd: {  	s19 =	simm.s32 $0x80;
	s17 =	sadd.s32 s10, s18;
	s18 =	smul.u32 $0xA000, s11  }
0xe: {  	s21 =	sand.u32 $0x280, s16;
	s26 =	sand.u32 $0x300, s24;
	s16 =	smul.u32 $0xA000, s25  }
0xf: {  	s13 =	smax.u32 s13, $0x1;
	s8 =	sadd.s32 s5, s6;
	s5 =	sadd.s32 $0xBA00, s6  }
0x10: {  	s22 =	sor.u32 s20, s17;
	s23 =	sor.u32 s17, s21;
	s14 =	sshrl.u32 s14, $0x2  }
0x11: {  	s15 =	sor.u32 s17, s29;
	s20 =	simm.s32 $0x2800;
	s21 =	simm.s32 $0x2880  }
0x12: {  	s6 =	sadd.s32 $0x1A00, s8;
	s7 =	sadd.s32 $0x6A00, s8;
	s8 =	sadd.s32 s9, s3  }
0x13: {  	s9 =	sshrl.u32 s22, $0x3;
	s10 =	sshrl.u32 s23, $0x3;
	s23 =	sadd.s32 s14, s3  }
0x14: {  	s14 =	sor.u32 s17, s26;
	s30 =	sshrl.u32 s18, $0x2;
	s15 =	sshrl.u32 s15, $0x3  }
0x15: {  	s31 =	sshrl.u32 s16, $0x2;
	s16 =	simm.s32 $0x2D00;
	s17 =	simm.s32 $0x5500  }
0x16: {  	s18 =	simm.s32 $0x2900;
	s22 =	simm.s32 $0x10;
	s26 =	simm.s32 $0x0  }
0x17: {  	s9 =	sadd.s32 s12, s9;
	s10 =	sadd.s32 s12, s10;
	s14 =	sshrl.u32 s14, $0x3  }
0x18: {  	s24 =	sadd.s32 s30, s3;
	s25 =	sadd.s32 s31, s3;
	s23 =	sshrl.u32 s23, $0x3  }
0x19: {  	s11 =	sadd.s32 s12, s14;
	s12 =	sadd.s32 s12, s15;
	s14 =	simm.s32 $0x1  }
0x1a: {  	v0 =	vimm.f32 $0.0e+00;
	vm0 =	vmmov $0x1fff;
	s15 =	simm.s32 $0x1400;
	s24 =	sshrl.u32 s24, $0x3;
	s25 =	sshrl.u32 s25, $0x3  }
.LBB2_1:
0x1b: {  	[tilespmem:s4], [sflag:$0x1] =	stream.linear.gather [hbm4b:s6+s4], $0x1388, $0x38;
	[tilespmem:$0x11D00] =	vst v63  }
0x1c: {  	_ =	swait.ge [sflag:s14], $0x1388  }
0x1d: {  	[sflag:s14] =	ssyncset.done $0x0  }
0x1e: {  	[sflag:s14] =	ssyncadd.s32 $0xFFFFEC78  }
0x1f: {  	[tilespmem:s15], [sflag:$0x1] =	stream.linear.gather [hbm4b:s7+s4], $0x1388, $0x38;
	[tilespmem:$0x11D00] =	vst v63  }
0x20: {  	_ =	swait.ge [sflag:s14], $0x1388  }
0x21: {  	[sflag:s14] =	ssyncset.done $0x0  }
0x22: {  	[sflag:s14] =	ssyncadd.s32 $0xFFFFEC78  }
0x23: {  	[tilespmem:s16], [sflag:$0x1] =	stream.linear.gather [hbm4b:s2+s4], $0x2800, $0x38;
	[tilespmem:$0x11D00] =	vst v63  }
0x24: {  	_ =	swait.ge [sflag:s14], $0x2800  }
0x25: {  	[sflag:s14] =	ssyncset.done $0x0  }
0x26: {  	[sflag:s14] =	ssyncadd.s32 $0xFFFFD800  }
0x27: {  	[tilespmem:s17], [sflag:$0x1] =	stream.linear.gather [hbm4b:s5+s4], $0x2800, $0x38;
	[tilespmem:$0x11D00] =	vst v63  }
0x28: {  	_ =	swait.ge [sflag:s14], $0x2800  }
0x29: {  	[sflag:s14] =	ssyncset.done $0x0  }
0x2a: {  	s28 =	simm.s32 $0x0;
	[sflag:s14] =	ssyncadd.s32 $0xFFFFD800  }
.LBB2_2:
0x2b: {  	p0 =	sne.s32 s28, $0xFC0  }
.Ltmp0:
0x2c: {  	_ = 	snop;
	(pc) =	sbr.rel @p0 .LBB2_2-.Ltmp0, $3  }
0x2d: {  	_ =	sdelay $0x1  }
0x2e: {  	s29 =	sshra.s32 s28, $0x2  }
0x2f: {  	s28 =	sadd.s32 $0x40, s28;
	[tilespmem:s29+$0x2900] =	vst v0  }
0x30: {  	s28 =	sadd.s32 $0x0, s8  }
0x31: {  	[spmem:s28] =	stream.linear.scatter [tilespmem:s18], [sflag:$0x1], $0x400, $0x38;
	[tilespmem:$0x11D00] =	vst v63  }
0x32: {  	s28 =	simm.s32 $0x1000;
	_ =	swait.ge [sflag:s14], $0x400  }
.LBB2_4:
0x33: {  	s29 =	sshra.s32 s28, $0x2;
	[sflag:s14] =	ssyncset.done $0x0;
	p0 =	sne.s32 s28, $0x27000  }
.Ltmp1:
0x34: {  	s29 =	sadd.s32 s29, s8;
	[sflag:s14] =	ssyncadd.s32 $0xFFFFFC00;
	(pc) =	sbr.rel @p0 .LBB2_4-.Ltmp1, $3  }
0x35: {  	[spmem:s29] =	stream.linear.scatter [tilespmem:s18], [sflag:$0x1], $0x400, $0x38;
	[tilespmem:$0x11D00] =	vst v63  }
0x36: {  	s28 =	sadd.s32 $0x1000, s28;
	_ =	sdelay $0x1  }
0x37: {  	_ =	swait.ge [sflag:s14], $0x400  }
0x38: {  	[sflag:s14] =	ssyncset.done $0x0  }
0x39: {  	[sflag:s14] =	ssyncadd.s32 $0xFFFFFC00  }
0x3a: {  	s28 =	simm.s32 $0x0;
	[bflag:$0x0] =	sbarrier.arrive $0xFFFF  }
.LBB2_6:
0x3b: {  	s29 =	sshra.s32 s28, $0x2  }
0x3c: {  	v1 =	vld [tilespmem:s29+$0x1400];
	_ =	sdelay $0x7  }
0x3d: {  	v2 =	vld.idx.msk [tilespmem:v1+s16+$0x0], $0xffff;
	_ =	sdelay $0x2  }
0x3e: {  	v3 =	vld [tilespmem:s29+$0x0]  }
0x3f: {  	v1 =	vld.idx.msk [tilespmem:v1+s17+$0x0], $0xffff  }
0x40: {  	vm1 =	vgt.s32 v2, $0x0  }
0x41: {  	v2 =	vnsel vm1, $0x0, v2  }
0x42: {  	v2 =	vmul.u32 $0x2800, v2;
	_ =	sdelay $0x1  }
0x43: {  	[tilespmem:$0x2880] =	vst v1;
	v2 =	vadd.s32 v3, v2  }
0x44: {  	[tilespmem:$0x2800] =	vst v2  }
0x45: {  	v1 =	vld [tilespmem:s29+$0x1410];
	_ =	sdelay $0x7  }
0x46: {  	v2 =	vld.idx.msk [tilespmem:v1+s16+$0x0], $0xffff;
	_ =	sdelay $0x2  }
0x47: {  	v3 =	vld [tilespmem:s29+$0x10]  }
0x48: {  	v1 =	vld.idx.msk [tilespmem:v1+s17+$0x0], $0xffff  }
0x49: {  	vm1 =	vgt.s32 v2, $0x0  }
0x4a: {  	v2 =	vnsel vm1, $0x0, v2  }
0x4b: {  	v2 =	vmul.u32 $0x2800, v2;
	_ =	sdelay $0x1  }
0x4c: {  	[tilespmem:$0x2890] =	vst v1;
	v2 =	vadd.s32 v3, v2  }
0x4d: {  	[tilespmem:$0x2810] =	vst v2  }
0x4e: {  	v1 =	vld [tilespmem:s29+$0x1420];
	_ =	sdelay $0x7  }
0x4f: {  	v2 =	vld.idx.msk [tilespmem:v1+s16+$0x0], $0xffff;
	_ =	sdelay $0x2  }
0x50: {  	v3 =	vld [tilespmem:s29+$0x20]  }
0x51: {  	v1 =	vld.idx.msk [tilespmem:v1+s17+$0x0], $0xffff  }
0x52: {  	vm1 =	vgt.s32 v2, $0x0  }
0x53: {  	v2 =	vnsel vm1, $0x0, v2  }
0x54: {  	v2 =	vmul.u32 $0x2800, v2;
	_ =	sdelay $0x1  }
0x55: {  	[tilespmem:$0x28A0] =	vst v1;
	v2 =	vadd.s32 v3, v2  }
0x56: {  	[tilespmem:$0x2820] =	vst v2  }
0x57: {  	v1 =	vld [tilespmem:s29+$0x1430];
	_ =	sdelay $0x7  }
0x58: {  	v2 =	vld.idx.msk [tilespmem:v1+s16+$0x0], $0xffff;
	_ =	sdelay $0x2  }
0x59: {  	v3 =	vld [tilespmem:s29+$0x30]  }
0x5a: {  	v1 =	vld.idx.msk [tilespmem:v1+s17+$0x0], $0xffff  }
0x5b: {  	vm1 =	vgt.s32 v2, $0x0  }
0x5c: {  	v2 =	vnsel vm1, $0x0, v2  }
0x5d: {  	v2 =	vmul.u32 $0x2800, v2;
	_ =	sdelay $0x1  }
0x5e: {  	[tilespmem:$0x28B0] =	vst v1;
	v2 =	vadd.s32 v3, v2  }
0x5f: {  	[tilespmem:$0x2830] =	vst v2  }
0x60: {  	v1 =	vld [tilespmem:s29+$0x1440];
	_ =	sdelay $0x7  }
0x61: {  	v2 =	vld.idx.msk [tilespmem:v1+s16+$0x0], $0xffff;
	_ =	sdelay $0x2  }
0x62: {  	v3 =	vld [tilespmem:s29+$0x40]  }
0x63: {  	v1 =	vld.idx.msk [tilespmem:v1+s17+$0x0], $0xffff  }
0x64: {  	vm1 =	vgt.s32 v2, $0x0  }
0x65: {  	v2 =	vnsel vm1, $0x0, v2  }
0x66: {  	v2 =	vmul.u32 $0x2800, v2;
	_ =	sdelay $0x1  }
0x67: {  	[tilespmem:$0x28C0] =	vst v1;
	v2 =	vadd.s32 v3, v2  }
0x68: {  	[tilespmem:$0x2840] =	vst v2  }
0x69: {  	v1 =	vld [tilespmem:s29+$0x1450];
	_ =	sdelay $0x7  }
0x6a: {  	v2 =	vld.idx.msk [tilespmem:v1+s16+$0x0], $0xffff;
	_ =	sdelay $0x2  }
0x6b: {  	v3 =	vld [tilespmem:s29+$0x50]  }
0x6c: {  	v1 =	vld.idx.msk [tilespmem:v1+s17+$0x0], $0xffff  }
0x6d: {  	vm1 =	vgt.s32 v2, $0x0  }
0x6e: {  	v2 =	vnsel vm1, $0x0, v2  }
0x6f: {  	v2 =	vmul.u32 $0x2800, v2;
	_ =	sdelay $0x1  }
0x70: {  	[tilespmem:$0x28D0] =	vst v1;
	v2 =	vadd.s32 v3, v2  }
0x71: {  	[tilespmem:$0x2850] =	vst v2  }
0x72: {  	v1 =	vld [tilespmem:s29+$0x1460];
	_ =	sdelay $0x7  }
0x73: {  	v2 =	vld.idx.msk [tilespmem:v1+s16+$0x0], $0xffff;
	_ =	sdelay $0x2  }
0x74: {  	v3 =	vld [tilespmem:s29+$0x60]  }
0x75: {  	v1 =	vld.idx.msk [tilespmem:v1+s17+$0x0], $0xffff  }
0x76: {  	vm1 =	vgt.s32 v2, $0x0  }
0x77: {  	v2 =	vnsel vm1, $0x0, v2  }
0x78: {  	v2 =	vmul.u32 $0x2800, v2;
	_ =	sdelay $0x1  }
0x79: {  	[tilespmem:$0x28E0] =	vst v1;
	v2 =	vadd.s32 v3, v2  }
0x7a: {  	[tilespmem:$0x2860] =	vst v2  }
0x7b: {  	v1 =	vld [tilespmem:s29+$0x1470];
	_ =	sdelay $0x4  }
0x7c: {  	v1 =	vnsel vm0, $0x0, v1;
	_ =	sdelay $0x4  }
0x7d: {  	v2 =	vld.idx.msk [tilespmem:v1+s16+$0x0], $0xffff;
	_ =	sdelay $0x1  }
0x7e: {  	v3 =	vld [tilespmem:s29+$0x70]  }
0x7f: {  	v1 =	vld.idx.msk [tilespmem:v1+s17+$0x0], $0xffff;
	_ =	sdelay $0x1  }
0x80: {  	vm1 =	vgt.s32 v2, $0x0  }
0x81: {  	v2 =	vnsel vm1, $0x0, v2  }
0x82: {  	v2 =	vmul.u32 $0x2800, v2  }
0x83: {  	v3 =	vnsel vm0, $0x0, v3;
	v1 =	vnsel vm0, $0x0, v1  }
0x84: {  	p0 =	sne.s32 s28, $0x4C2C;
	[tilespmem:$0x28F0] =	vst v1;
	v2 =	vadd.s32 v3, v2  }
.Ltmp2:
0x85: {  	[tilespmem:$0x2870] =	vst v2;
	(pc) =	sbr.rel @p0 .LBB2_6-.Ltmp2, $4  }
0x86: {  	[spmem:s3] =	stream.indirect.scatter.add.f32 [tilespmem:s21], [sflag:$0x1], $0x1, s20, s19, $0xb8;
	[tilespmem:$0x11D00] =	vst v63  }
0x87: {  	_ =	swait.ge [sflag:s14], $0x80  }
0x88: {  	[sflag:s14] =	ssyncset.done $0x0  }
0x89: {  	s28 =	sadd.s32 $0x1F4, s28;
	[sflag:s14] =	ssyncadd.s32 $0xFFFFFF80  }
0x8a: {  	s28 =	sshll.u32 s0, $0x6  }
0x8b: {  	[bflag:$0x0] =	sbarrier.arrive $0xFFFF;
	s29 =	sshrl.u32 s8, $0x3;
	s28 =	sor.u32 $0x1C01, s28  }
0x8c: {  	[hbm:s9@s19], [sflag:s28] =	dma.strided [spmem:s29@s22], $0x500, s14, $0x10   }
0x8d: {  	_ =	swait.ge [sflag:s14], $0x500  }
0x8e: {  	[sflag:s14] =	ssyncset.done $0x0  }
0x8f: {  	[sflag:s14] =	ssyncadd.s32 $0xFFFFFB00  }
0x90: {  	[hbm:s10@s19], [sflag:s28] =	dma.strided [spmem:s23@s22], $0x500, s14, $0x10   }
0x91: {  	_ =	swait.ge [sflag:s14], $0x500  }
0x92: {  	[sflag:s14] =	ssyncset.done $0x0  }
0x93: {  	[sflag:s14] =	ssyncadd.s32 $0xFFFFFB00  }
0x94: {  	[hbm:s11@s19], [sflag:s28] =	dma.strided [spmem:s24@s22], $0x500, s14, $0x10   }
0x95: {  	s26 =	sadd.s32 $0x1, s26;
	_ =	swait.ge [sflag:s14], $0x500  }
0x96: {  	p0 =	sne.s32 s26, s13;
	[sflag:s14] =	ssyncset.done $0x0  }
.Ltmp3:
0x97: {  	[sflag:s14] =	ssyncadd.s32 $0xFFFFFB00;
	(pc) =	sbr.rel @p0 .LBB2_1-.Ltmp3, $4  }
0x98: {  	[hbm:s12@s19], [sflag:s28] =	dma.strided [spmem:s25@s22], $0x500, s14, $0x10   }
0x99: {  	_ =	swait.ge [sflag:s14], $0x500  }
0x9a: {  	[sflag:s14] =	ssyncset.done $0x0  }
0x9b: {  	[sflag:s14] =	ssyncadd.s32 $0xFFFFFB00  }
0x9c: {  	_ =	sfence.sel $0x180000  }
0x9d: {  	[bflag:$0x0] =	sbarrier.arrive $0xFFFF  }
0x9e: {  	p0 =	sne.s32 s0, $0x0;
	_ =	strace $0x9000004A  }
0x9f: {  	s0 =	sadd.s32 @!p0 $0x100000, s1;
	[bflag:$0x2] =	sbarrier.arrive $0xFFFF  }
0xa0: {  	[sflag:s0] =	ssyncadd.tile.s32 @!p0 $0x1;
	_ =	shalt  }
.Lfunc_end2:
_tile_overlayer_lowered:
.L_overlay_start_2:
0xa1: {  	(tag) =	ssettag $0x2  }
0xa2: {  	s0 =	rddreg [dreg:$0x0];
	s2 =	stileid.u32  }
0xa3: {  	s1 =	rddreg [dreg:$0x1];
	p0 =	sne.s32 s2, $0x0  }
0xa4: {  	s3 =	rddreg [dreg:$0x2];
	[bflag:$0x3] =	sbarrier.arrive $0xFFFF;
	s2 =	simm.s32 @!p0 $0x1C01  }
0xa5: {  	[timem:s3], [sflag:s2] =	dma.local @!p0 [hbm:s0], s1  }
0xa6: {  	s0 =	simm.s32 @!p0 $0x1  }
0xa7: {  	_ =	swait.ge @!p0 [sflag:s0], s1  }
0xa8: {  	s1 =	ssub.s32 @!p0 $0x0, s1;
	[sflag:s0] =	ssyncset.done @!p0 $0x0  }
0xa9: {  	[sflag:s0] =	ssyncadd.s32 @!p0 s1  }
0xaa: {  	[bflag:$0x3] =	sbarrier.arrive $0xFFFF  }
0xab: {  	_ =	shalt  }

</sc_bundles>
